<compile_context>
chip_gen: v7x
topology: tpu7x:2x2x1
jax: 0.10.2.dev20260603
libtpu: 0.0.44.dev20260713+nightly
codegen_flags: <defaults>
</compile_context>

<pallas_src>
import functools

import jax
import jax.numpy as jnp
from jax import lax
from jax.experimental import pallas as pl
from jax.experimental.pallas import tpu as pltpu, tpu_sc as plsc

N = 10000
E = 320000
D = 128
HID = 16
NPAD = 10112
NC, NS = 2, 16
NW = NC * NS
EPW = E // NW
CH = 125
NCHUNK = EPW // CH
ROWS_PER_SUB = NPAD // NS

_mesh = plsc.VectorSubcoreMesh(core_axis_name="c", subcore_axis_name="s")


@functools.partial(
    pl.kernel,
    out_type=(jax.ShapeDtypeStruct((NC * NPAD, D), jnp.float32),
              jax.ShapeDtypeStruct((NC * NPAD, HID), jnp.float32)),
    mesh=_mesh,
    scratch_types=[
        pltpu.VMEM((NCHUNK, CH), jnp.int32),
        pltpu.VMEM((NCHUNK, CH), jnp.int32),
        pltpu.VMEM((CH, D), jnp.float32),
        pltpu.VMEM((CH, HID), jnp.float32),
        pltpu.VMEM_SHARED((NPAD, D), jnp.float32),
        pltpu.VMEM_SHARED((NPAD, HID), jnp.float32),
        pltpu.SemaphoreType.DMA,
    ],
    compiler_params=pltpu.CompilerParams(use_tc_tiling_on_sc=False),
)
def _sc_pass1(src_hbm, dst_hbm, table_hbm, zeros_d_hbm, zeros_h_hbm, ones_hbm,
              sum_hbm, deg_hbm, sidx, didx, rows, ones, acc, dacc, sem):
    c = lax.axis_index("c")
    s = lax.axis_index("s")
    wid = c * NS + s
    sl = pl.ds(s * ROWS_PER_SUB, ROWS_PER_SUB)
    pltpu.sync_copy(zeros_d_hbm, acc.at[sl])
    pltpu.sync_copy(zeros_h_hbm, dacc.at[sl])
    pltpu.sync_copy(src_hbm.at[wid], sidx)
    pltpu.sync_copy(dst_hbm.at[wid], didx)
    pltpu.sync_copy(ones_hbm, ones)
    plsc.subcore_barrier()

    def body(i, carry):
        pltpu.async_copy(table_hbm.at[sidx.at[i]], rows, sem).wait()
        pltpu.sync_copy(rows, acc.at[didx.at[i]], add=True)
        pltpu.sync_copy(ones, dacc.at[didx.at[i]], add=True)
        return carry

    lax.fori_loop(0, NCHUNK, body, 0)
    plsc.subcore_barrier()
    pltpu.sync_copy(acc.at[sl], sum_hbm.at[pl.ds(c * NPAD + s * ROWS_PER_SUB,
                                                 ROWS_PER_SUB)])
    pltpu.sync_copy(dacc.at[sl], deg_hbm.at[pl.ds(c * NPAD + s * ROWS_PER_SUB,
                                                  ROWS_PER_SUB)])


@functools.partial(
    pl.kernel,
    out_type=jax.ShapeDtypeStruct((NC * NPAD, HID), jnp.float32),
    mesh=_mesh,
    scratch_types=[
        pltpu.VMEM((NCHUNK, CH), jnp.int32),
        pltpu.VMEM((NCHUNK, CH), jnp.int32),
        pltpu.VMEM((CH, HID), jnp.float32),
        pltpu.VMEM_SHARED((NPAD, HID), jnp.float32),
        pltpu.VMEM_SHARED((NPAD, HID), jnp.float32),
        pltpu.SemaphoreType.DMA,
    ],
    compiler_params=pltpu.CompilerParams(use_tc_tiling_on_sc=False),
)
def _sc_pass2(src_hbm, dst_hbm, table_hbm, zeros_hbm, out_hbm,
              sidx, didx, rows, tbl, acc, sem):
    c = lax.axis_index("c")
    s = lax.axis_index("s")
    wid = c * NS + s
    sl = pl.ds(s * ROWS_PER_SUB, ROWS_PER_SUB)
    pltpu.sync_copy(table_hbm.at[sl], tbl.at[sl])
    pltpu.sync_copy(zeros_hbm, acc.at[sl])
    pltpu.sync_copy(src_hbm.at[wid], sidx)
    pltpu.sync_copy(dst_hbm.at[wid], didx)
    plsc.subcore_barrier()

    def body(i, carry):
        pltpu.async_copy(tbl.at[sidx.at[i]], rows, sem).wait()
        pltpu.sync_copy(rows, acc.at[didx.at[i]], add=True)
        return carry

    lax.fori_loop(0, NCHUNK, body, 0)
    plsc.subcore_barrier()
    pltpu.sync_copy(acc.at[sl], out_hbm.at[pl.ds(c * NPAD + s * ROWS_PER_SUB,
                                                 ROWS_PER_SUB)])


def _elu(x):
    p = x * (1.0 + x * (0.5 + x * (1.0 / 6.0 + x * (1.0 / 24.0 + x * (
        1.0 / 120.0 + x * (1.0 / 720.0 + x * (1.0 / 5040.0 + x / 40320.0)))))))
    em1 = jnp.where(x > -0.5, p, jnp.exp(x) - 1.0)
    return jnp.where(x > 0, x, em1)


def _deg_tile(degc_hid, width):
    return jnp.concatenate([degc_hid] * (width // HID), axis=1)


def _tca(sum_ref, dacc_ref, n_ref, w1s_ref, w1n_ref, b1_ref, h_ref, degc_ref):
    summed = sum_ref[0] + sum_ref[1]
    degc = jnp.clip(dacc_ref[0] + dacc_ref[1], 1.0, None)
    mean = summed / _deg_tile(degc, D)
    h = (jnp.dot(n_ref[...], w1s_ref[...], preferred_element_type=jnp.float32)
         + jnp.dot(mean, w1n_ref[...], preferred_element_type=jnp.float32)
         + b1_ref[...])
    h_ref[...] = _elu(h)
    degc_ref[...] = degc


def _bf16(x):
    return x.astype(jnp.bfloat16).astype(jnp.float32)


def _vecmat(y_row, w, eye, mxu):
    y_col = jnp.sum(eye * y_row, axis=1, keepdims=True)
    if mxu:
        y_col = _bf16(y_col)
        w = _bf16(w)
    return jnp.sum(y_col * w, axis=0, keepdims=True)


def _tcb(acc2_ref, h_ref, degc_ref, w2s_ref, w2n_ref, b2_ref,
         gg_ref, gb_ref, wg_ref, bg_ref, fg_ref, fb_ref,
         wf1_ref, bf1_ref, wf2_ref, bf2_ref, wf3_ref, bf3_ref, eye_ref,
         out_ref):
    inv_sqrt = jnp.sqrt(1.0 + 1e-5)
    summed2 = acc2_ref[0:NPAD, :] + acc2_ref[NPAD:, :]
    mean2 = summed2 / degc_ref[...]
    h2 = (jnp.dot(h_ref[...], w2s_ref[...], preferred_element_type=jnp.float32)
          + jnp.dot(mean2, w2n_ref[...], preferred_element_type=jnp.float32)
          + b2_ref[...])
    hn = h2[0:N, :]
    hbn = hn / inv_sqrt * gg_ref[...] + gb_ref[...]
    gate = jnp.sum(hbn * wg_ref[...], axis=1, keepdims=True) + bg_ref[...]
    m = jnp.max(gate)
    ex = jnp.exp(gate - m)
    attn = ex / jnp.sum(ex)
    h1 = jnp.sum(attn * hn, axis=0, keepdims=True)
    hmax = jnp.max(hn, axis=0, keepdims=True)
    hc = _elu(jnp.concatenate([h1, hmax], axis=1))
    y = hc / inv_sqrt * fg_ref[...] + fb_ref[...]
    eye = eye_ref[...]
    y = jnp.maximum(_vecmat(y, wf1_ref[...], eye, True) + bf1_ref[...], 0.0)
    y = jnp.maximum(_vecmat(y, wf2_ref[...], eye, True) + bf2_ref[...], 0.0)
    out_ref[...] = _vecmat(y, wf3_ref[...], eye, False) + bf3_ref[...]


def kernel(n, edge_index, e, p, W1s, W1n, b1, W2s, W2n, b2,
           gn_gamma, gn_beta, Wg, bg, f_gamma, f_beta,
           Wf1, bf1, Wf2, bf2, Wf3, bf3):
    src = edge_index[0].reshape(NW, NCHUNK, CH)
    dst = edge_index[1].reshape(NW, NCHUNK, CH)
    npad = jnp.pad(n, ((0, NPAD - N), (0, 0)))

    sum1, dacc = _sc_pass1(src, dst, npad,
                           jnp.zeros((ROWS_PER_SUB, D), jnp.float32),
                           jnp.zeros((ROWS_PER_SUB, HID), jnp.float32),
                           jnp.ones((CH, HID), jnp.float32))

    nb = 8
    rb = NPAD // nb
    h, degc = pl.pallas_call(
        _tca,
        grid=(nb,),
        in_specs=[
            pl.BlockSpec((NC, rb, D), lambda i: (0, i, 0)),
            pl.BlockSpec((NC, rb, HID), lambda i: (0, i, 0)),
            pl.BlockSpec((rb, D), lambda i: (i, 0)),
            pl.BlockSpec((D, HID), lambda i: (0, 0)),
            pl.BlockSpec((D, HID), lambda i: (0, 0)),
            pl.BlockSpec((1, HID), lambda i: (0, 0)),
        ],
        out_specs=[
            pl.BlockSpec((rb, HID), lambda i: (i, 0)),
            pl.BlockSpec((rb, HID), lambda i: (i, 0)),
        ],
        out_shape=(jax.ShapeDtypeStruct((NPAD, HID), jnp.float32),
                   jax.ShapeDtypeStruct((NPAD, HID), jnp.float32)),
    )(sum1.reshape(NC, NPAD, D), dacc.reshape(NC, NPAD, HID),
      npad, W1s, W1n, b1.reshape(1, HID))

    acc2 = _sc_pass2(src, dst, h, jnp.zeros((ROWS_PER_SUB, HID), jnp.float32))

    out = pl.pallas_call(
        _tcb,
        out_shape=jax.ShapeDtypeStruct((1, 1), jnp.float32),
    )(acc2, h, degc, W2s, W2n, b2.reshape(1, HID),
      gn_gamma.reshape(1, HID), gn_beta.reshape(1, HID),
      Wg.reshape(1, HID), bg.reshape(1, 1),
      f_gamma.reshape(1, 32), f_beta.reshape(1, 32),
      Wf1, bf1.reshape(1, 32), Wf2, bf2.reshape(1, 32),
      Wf3, bf3.reshape(1, 1), jnp.eye(32, dtype=jnp.float32))
    return out

# --- scband reference (transcript-rebuilt; emitter-appended) ---
"""Pipeline reference for scband-gat-small-56873956933640 (READ-ONLY COPY).

The authoritative reference and input builder live on the scoring server;
editing this copy changes nothing except your own understanding.
"""

import jax, jax.numpy as jnp
import numpy as np

N_NODES = 10000
N_EDGES = 320000
D_FEAT = 128
HID = 16


def setup_inputs(seed: int = 0) -> dict:
    key = jax.random.key(seed)
    ks = jax.random.split(key, 24)
    s = 0.05
    inp = {}
    inp["n"] = jax.random.normal(ks[0], (N_NODES, D_FEAT), dtype=jnp.float32)
    inp["edge_index"] = jax.random.randint(ks[1], (2, N_EDGES), 0, N_NODES, dtype=jnp.int32)
    inp["e"] = jax.random.normal(ks[2], (N_EDGES, 16), dtype=jnp.float32)
    inp["p"] = jnp.zeros((1,), dtype=jnp.float32)
    # SAGEConv 1: in=128 -> out=16 (mean aggregator)
    inp["W1s"] = jax.random.normal(ks[3], (D_FEAT, HID), dtype=jnp.float32) * s
    inp["W1n"] = jax.random.normal(ks[4], (D_FEAT, HID), dtype=jnp.float32) * s
    inp["b1"] = jnp.zeros((HID,), dtype=jnp.float32)
    # SAGEConv 2: 16 -> 16
    inp["W2s"] = jax.random.normal(ks[5], (HID, HID), dtype=jnp.float32) * s
    inp["W2n"] = jax.random.normal(ks[6], (HID, HID), dtype=jnp.float32) * s
    inp["b2"] = jnp.zeros((HID,), dtype=jnp.float32)
    # gate_nn: BatchNorm1d(16) + Linear(16,1)
    inp["gn_gamma"] = jnp.ones((HID,), dtype=jnp.float32)
    inp["gn_beta"] = jnp.zeros((HID,), dtype=jnp.float32)
    inp["Wg"] = jax.random.normal(ks[7], (HID, 1), dtype=jnp.float32) * s
    inp["bg"] = jnp.zeros((1,), dtype=jnp.float32)
    # final_layer: BatchNorm1d(32), Linear(32,32), Linear(32,32), Linear(32,1)
    inp["f_gamma"] = jnp.ones((2 * HID,), dtype=jnp.float32)
    inp["f_beta"] = jnp.zeros((2 * HID,), dtype=jnp.float32)
    inp["Wf1"] = jax.random.normal(ks[8], (2 * HID, 32), dtype=jnp.float32) * s
    inp["bf1"] = jnp.zeros((32,), dtype=jnp.float32)
    inp["Wf2"] = jax.random.normal(ks[9], (32, 32), dtype=jnp.float32) * s
    inp["bf2"] = jnp.zeros((32,), dtype=jnp.float32)
    inp["Wf3"] = jax.random.normal(ks[10], (32, 1), dtype=jnp.float32) * s
    inp["bf3"] = jnp.zeros((1,), dtype=jnp.float32)
    return inp


def _bn_eval(x, gamma, beta, eps=1e-5):
    # BatchNorm1d in eval mode with running_mean=0, running_var=1
    return x / jnp.sqrt(1.0 + eps) * gamma + beta


def _sage_mean(x, src, dst, Ws, Wn, b):
    msg = jnp.take(x, src, axis=0)
    summed = jax.ops.segment_sum(msg, dst, num_segments=N_NODES)
    deg = jax.ops.segment_sum(jnp.ones((src.shape[0], 1), x.dtype), dst, num_segments=N_NODES)
    mean = summed / jnp.clip(deg, 1.0, None)
    return x @ Ws + mean @ Wn + b


def reference(n, edge_index, e, p, W1s, W1n, b1, W2s, W2n, b2, gn_gamma, gn_beta, Wg, bg, f_gamma, f_beta, Wf1, bf1, Wf2, bf2, Wf3, bf3):
    src = edge_index[0]
    dst = edge_index[1]
    h = _sage_mean(n, src, dst, W1s, W1n, b1)
    h = jax.nn.elu(h)
    h = _sage_mean(h, src, dst, W2s, W2n, b2)
    # GlobalAttentionPooling over the single graph
    gate = _bn_eval(h, gn_gamma, gn_beta) @ Wg + bg  # [N, 1]
    attn = jax.nn.softmax(gate, axis=0)
    h1 = jnp.sum(attn * h, axis=0, keepdims=True)  # [1, 16]
    # MaxPooling
    h2 = jnp.max(h, axis=0, keepdims=True)  # [1, 16]
    hc = jnp.concatenate([h1, h2], axis=-1)  # [1, 32]
    hc = jax.nn.elu(hc)
    z = _bn_eval(hc, f_gamma, f_beta)
    z = jax.nn.relu(z @ Wf1 + bf1)
    z = jax.nn.relu(z @ Wf2 + bf2)
    out = z @ Wf3 + bf3  # [1, 1]
    return out

if __name__ == "__main__":
    import jax
    _d = setup_inputs()
    print(jax.jit(kernel)(*tuple(_d.values())))

</pallas_src>

<mosaic_0001>
#map = affine_map<(d0, d1) -> (0, 0, 0)>
#map1 = affine_map<(d0, d1) -> (0, 0)>
module attributes {stable_mosaic.version = 14 : i64} {
  func.func @_sc_pass2(%arg0: i32, %arg1: i32, %arg2: memref<32x80x125xi32, #tpu.memory_space<hbm>>, %arg3: memref<32x80x125xi32, #tpu.memory_space<hbm>>, %arg4: memref<10112x16xf32, #tpu.memory_space<hbm>>, %arg5: memref<632x16xf32, #tpu.memory_space<hbm>>, %arg6: memref<20224x16xf32, #tpu.memory_space<hbm>>, %arg7: memref<80x125xi32, #tpu.memory_space<vmem>>, %arg8: memref<80x125xi32, #tpu.memory_space<vmem>>, %arg9: memref<125x16xf32, #tpu.memory_space<vmem>>, %arg10: memref<10112x16xf32, #tpu.memory_space<vmem_shared>>, %arg11: memref<10112x16xf32, #tpu.memory_space<vmem_shared>>, %arg12: memref<!tpu.dma_semaphore, #tpu.memory_space<semaphore_mem>>) attributes {dimension_semantics = [#tpu.dimension_semantics<core_parallel>, #tpu.dimension_semantics<subcore_parallel>], iteration_bounds = array<i64: 2, 16>, scalar_prefetch = 0 : i64, scratch_operands = 6 : i64, tpu.core_type = #tpu.core_type<sc_vector_subcore>, window_params = [{transform_indices = #map}, {transform_indices = #map}, {transform_indices = #map1}, {transform_indices = #map1}, {transform_indices = #map1}]} {
    %mul3A = arith.constant 16 : i32
    %mul3A_0 = arith.muli %arg0, %mul3A : i32
    %add3A = arith.addi %mul3A_0, %arg1 : i32
    %mul3A_1 = arith.constant 632 : i32
    %mul3A_2 = arith.muli %arg1, %mul3A_1 : i32
    "tpu.region"() ({
      %run_scoped3A = tpu.sem_alloc : memref<!tpu.dma_semaphore, #tpu.memory_space<semaphore_mem>>
      %dma_start3A = arith.constant 0 : i32
      %dma_start3A_14 = tpu.memref_slice %arg10[%mul3A_2, %dma_start3A] : memref<10112x16xf32, #tpu.memory_space<vmem_shared>> -> memref<632x16xf32, #tpu.memory_space<vmem_shared>>
      %dma_start3A_15 = arith.constant 0 : i32
      %dma_start3A_16 = tpu.memref_slice %arg4[%mul3A_2, %dma_start3A_15] : memref<10112x16xf32, #tpu.memory_space<hbm>> -> memref<632x16xf32, #tpu.memory_space<hbm>>
      tpu.enqueue_dma source(%dma_start3A_16 : memref<632x16xf32, #tpu.memory_space<hbm>>) target(%dma_start3A_14 : memref<632x16xf32, #tpu.memory_space<vmem_shared>>) target_semaphore(%run_scoped3A : memref<!tpu.dma_semaphore, #tpu.memory_space<semaphore_mem>>)
      %dma_wait3A = arith.constant 0 : i32
      %dma_wait3A_17 = tpu.memref_slice %arg10[%mul3A_2, %dma_wait3A] : memref<10112x16xf32, #tpu.memory_space<vmem_shared>> -> memref<632x16xf32, #tpu.memory_space<vmem_shared>>
      %dma_wait3A_18 = arith.constant 0 : i32
      %dma_wait3A_19 = tpu.memref_slice %arg4[%mul3A_2, %dma_wait3A_18] : memref<10112x16xf32, #tpu.memory_space<hbm>> -> memref<632x16xf32, #tpu.memory_space<hbm>>
      tpu.wait_dma2 semaphore(%run_scoped3A : memref<!tpu.dma_semaphore, #tpu.memory_space<semaphore_mem>>) src(%dma_wait3A_19 : memref<632x16xf32, #tpu.memory_space<hbm>>) dst(%dma_wait3A_17 : memref<632x16xf32, #tpu.memory_space<vmem_shared>>)
      tpu.yield
    }) : () -> ()
    "tpu.region"() ({
      %run_scoped3A = tpu.sem_alloc : memref<!tpu.dma_semaphore, #tpu.memory_space<semaphore_mem>>
      %dma_start3A = arith.constant 0 : i32
      %dma_start3A_14 = tpu.memref_slice %arg11[%mul3A_2, %dma_start3A] : memref<10112x16xf32, #tpu.memory_space<vmem_shared>> -> memref<632x16xf32, #tpu.memory_space<vmem_shared>>
      tpu.enqueue_dma source(%arg5 : memref<632x16xf32, #tpu.memory_space<hbm>>) target(%dma_start3A_14 : memref<632x16xf32, #tpu.memory_space<vmem_shared>>) target_semaphore(%run_scoped3A : memref<!tpu.dma_semaphore, #tpu.memory_space<semaphore_mem>>)
      %dma_wait3A = arith.constant 0 : i32
      %dma_wait3A_15 = tpu.memref_slice %arg11[%mul3A_2, %dma_wait3A] : memref<10112x16xf32, #tpu.memory_space<vmem_shared>> -> memref<632x16xf32, #tpu.memory_space<vmem_shared>>
      tpu.wait_dma2 semaphore(%run_scoped3A : memref<!tpu.dma_semaphore, #tpu.memory_space<semaphore_mem>>) src(%arg5 : memref<632x16xf32, #tpu.memory_space<hbm>>) dst(%dma_wait3A_15 : memref<632x16xf32, #tpu.memory_space<vmem_shared>>)
      tpu.yield
    }) : () -> ()
    "tpu.region"() ({
      %run_scoped3A = tpu.sem_alloc : memref<!tpu.dma_semaphore, #tpu.memory_space<semaphore_mem>>
      %dma_start3A = arith.constant 0 : i32
      %dma_start3A_14 = arith.constant 0 : i32
      %dma_start3A_15 = tpu.memref_slice %arg2[%add3A, %dma_start3A, %dma_start3A_14] : memref<32x80x125xi32, #tpu.memory_space<hbm>> -> memref<1x80x125xi32, #tpu.memory_space<hbm>>
      %dma_start3A_16 = tpu.memref_squeeze %dma_start3A_15 : memref<1x80x125xi32, #tpu.memory_space<hbm>> -> memref<80x125xi32, #tpu.memory_space<hbm>>
      %dma_start3A_17 = arith.constant 0 : i32
      %dma_start3A_18 = arith.constant 0 : i32
      %dma_start3A_19 = tpu.memref_slice %arg2[%add3A, %dma_start3A_17, %dma_start3A_18] : memref<32x80x125xi32, #tpu.memory_space<hbm>> -> memref<1x80x125xi32, #tpu.memory_space<hbm>>
      %dma_start3A_20 = tpu.memref_squeeze %dma_start3A_19 : memref<1x80x125xi32, #tpu.memory_space<hbm>> -> memref<80x125xi32, #tpu.memory_space<hbm>>
      tpu.enqueue_dma source(%dma_start3A_20 : memref<80x125xi32, #tpu.memory_space<hbm>>) target(%arg7 : memref<80x125xi32, #tpu.memory_space<vmem>>) target_semaphore(%run_scoped3A : memref<!tpu.dma_semaphore, #tpu.memory_space<semaphore_mem>>)
      %dma_wait3A = arith.constant 0 : i32
      %dma_wait3A_21 = arith.constant 0 : i32
      %dma_wait3A_22 = tpu.memref_slice %arg2[%add3A, %dma_wait3A, %dma_wait3A_21] : memref<32x80x125xi32, #tpu.memory_space<hbm>> -> memref<1x80x125xi32, #tpu.memory_space<hbm>>
      %dma_wait3A_23 = tpu.memref_squeeze %dma_wait3A_22 : memref<1x80x125xi32, #tpu.memory_space<hbm>> -> memref<80x125xi32, #tpu.memory_space<hbm>>
      %dma_wait3A_24 = arith.constant 0 : i32
      %dma_wait3A_25 = arith.constant 0 : i32
      %dma_wait3A_26 = tpu.memref_slice %arg2[%add3A, %dma_wait3A_24, %dma_wait3A_25] : memref<32x80x125xi32, #tpu.memory_space<hbm>> -> memref<1x80x125xi32, #tpu.memory_space<hbm>>
      %dma_wait3A_27 = tpu.memref_squeeze %dma_wait3A_26 : memref<1x80x125xi32, #tpu.memory_space<hbm>> -> memref<80x125xi32, #tpu.memory_space<hbm>>
      tpu.wait_dma2 semaphore(%run_scoped3A : memref<!tpu.dma_semaphore, #tpu.memory_space<semaphore_mem>>) src(%dma_wait3A_27 : memref<80x125xi32, #tpu.memory_space<hbm>>) dst(%arg7 : memref<80x125xi32, #tpu.memory_space<vmem>>)
      tpu.yield
    }) : () -> ()
    "tpu.region"() ({
      %run_scoped3A = tpu.sem_alloc : memref<!tpu.dma_semaphore, #tpu.memory_space<semaphore_mem>>
      %dma_start3A = arith.constant 0 : i32
      %dma_start3A_14 = arith.constant 0 : i32
      %dma_start3A_15 = tpu.memref_slice %arg3[%add3A, %dma_start3A, %dma_start3A_14] : memref<32x80x125xi32, #tpu.memory_space<hbm>> -> memref<1x80x125xi32, #tpu.memory_space<hbm>>
      %dma_start3A_16 = tpu.memref_squeeze %dma_start3A_15 : memref<1x80x125xi32, #tpu.memory_space<hbm>> -> memref<80x125xi32, #tpu.memory_space<hbm>>
      %dma_start3A_17 = arith.constant 0 : i32
      %dma_start3A_18 = arith.constant 0 : i32
      %dma_start3A_19 = tpu.memref_slice %arg3[%add3A, %dma_start3A_17, %dma_start3A_18] : memref<32x80x125xi32, #tpu.memory_space<hbm>> -> memref<1x80x125xi32, #tpu.memory_space<hbm>>
      %dma_start3A_20 = tpu.memref_squeeze %dma_start3A_19 : memref<1x80x125xi32, #tpu.memory_space<hbm>> -> memref<80x125xi32, #tpu.memory_space<hbm>>
      tpu.enqueue_dma source(%dma_start3A_20 : memref<80x125xi32, #tpu.memory_space<hbm>>) target(%arg8 : memref<80x125xi32, #tpu.memory_space<vmem>>) target_semaphore(%run_scoped3A : memref<!tpu.dma_semaphore, #tpu.memory_space<semaphore_mem>>)
      %dma_wait3A = arith.constant 0 : i32
      %dma_wait3A_21 = arith.constant 0 : i32
      %dma_wait3A_22 = tpu.memref_slice %arg3[%add3A, %dma_wait3A, %dma_wait3A_21] : memref<32x80x125xi32, #tpu.memory_space<hbm>> -> memref<1x80x125xi32, #tpu.memory_space<hbm>>
      %dma_wait3A_23 = tpu.memref_squeeze %dma_wait3A_22 : memref<1x80x125xi32, #tpu.memory_space<hbm>> -> memref<80x125xi32, #tpu.memory_space<hbm>>
      %dma_wait3A_24 = arith.constant 0 : i32
      %dma_wait3A_25 = arith.constant 0 : i32
      %dma_wait3A_26 = tpu.memref_slice %arg3[%add3A, %dma_wait3A_24, %dma_wait3A_25] : memref<32x80x125xi32, #tpu.memory_space<hbm>> -> memref<1x80x125xi32, #tpu.memory_space<hbm>>
      %dma_wait3A_27 = tpu.memref_squeeze %dma_wait3A_26 : memref<1x80x125xi32, #tpu.memory_space<hbm>> -> memref<80x125xi32, #tpu.memory_space<hbm>>
      tpu.wait_dma2 semaphore(%run_scoped3A : memref<!tpu.dma_semaphore, #tpu.memory_space<semaphore_mem>>) src(%dma_wait3A_27 : memref<80x125xi32, #tpu.memory_space<hbm>>) dst(%arg8 : memref<80x125xi32, #tpu.memory_space<vmem>>)
      tpu.yield
    }) : () -> ()
    %barrier3A = arith.constant 0 : index
    tpu.barrier barrier_id(%barrier3A)
    %scan3A = arith.constant 0 : i32
    %scan3A_3 = arith.constant 0 : i32
    %scan3A_4 = arith.constant 80 : i32
    %scan3A_5 = arith.addi %scan3A_3, %scan3A_4 : i32
    %scan3A_6 = arith.constant 1 : i32
    scf.for %scan3A_14 = %scan3A_3 to %scan3A_5 step %scan3A_6  : i32 {
      %dma_start3A = arith.constant 0 : i32
      %dma_start3A_15 = tpu.memref_slice %arg7[%scan3A_14, %dma_start3A] : memref<80x125xi32, #tpu.memory_space<vmem>> -> memref<1x125xi32, #tpu.memory_space<vmem>>
      %dma_start3A_16 = tpu.memref_squeeze %dma_start3A_15 : memref<1x125xi32, #tpu.memory_space<vmem>> -> memref<125xi32, #tpu.memory_space<vmem>>
      %dma_start3A_17 = arith.constant 0 : i32
      %dma_start3A_18 = arith.constant 0 : i32
      %dma_start3A_19 = tpu.memref_slice %arg10[%dma_start3A_17, %dma_start3A_18] : memref<10112x16xf32, #tpu.memory_space<vmem_shared>> -> memref<10112x16xf32, #tpu.memory_space<vmem_shared>>
      tpu.enqueue_indirect_dma source(%dma_start3A_19 : memref<10112x16xf32, #tpu.memory_space<vmem_shared>>) target(%arg9 : memref<125x16xf32, #tpu.memory_space<vmem>>) offsets(%dma_start3A_16 : memref<125xi32, #tpu.memory_space<vmem>>) semaphore(%arg12 : memref<!tpu.dma_semaphore, #tpu.memory_space<semaphore_mem>>)
      %dma_wait3A = arith.constant 0 : i32
      %dma_wait3A_20 = tpu.memref_slice %arg7[%scan3A_14, %dma_wait3A] : memref<80x125xi32, #tpu.memory_space<vmem>> -> memref<1x125xi32, #tpu.memory_space<vmem>>
      %dma_wait3A_21 = tpu.memref_squeeze %dma_wait3A_20 : memref<1x125xi32, #tpu.memory_space<vmem>> -> memref<125xi32, #tpu.memory_space<vmem>>
      %dma_wait3A_22 = arith.constant 0 : i32
      %dma_wait3A_23 = arith.constant 0 : i32
      %dma_wait3A_24 = tpu.memref_slice %arg10[%dma_wait3A_22, %dma_wait3A_23] : memref<10112x16xf32, #tpu.memory_space<vmem_shared>> -> memref<10112x16xf32, #tpu.memory_space<vmem_shared>>
      tpu.wait_indirect_dma semaphore(%arg12 : memref<!tpu.dma_semaphore, #tpu.memory_space<semaphore_mem>>) src(%dma_wait3A_24 : memref<10112x16xf32, #tpu.memory_space<vmem_shared>>) dst(%arg9 : memref<125x16xf32, #tpu.memory_space<vmem>>)
      "tpu.region"() ({
        %run_scoped3A = tpu.sem_alloc : memref<!tpu.dma_semaphore, #tpu.memory_space<semaphore_mem>>
        %dma_start3A_25 = arith.constant 0 : i32
        %dma_start3A_26 = tpu.memref_slice %arg8[%scan3A_14, %dma_start3A_25] : memref<80x125xi32, #tpu.memory_space<vmem>> -> memref<1x125xi32, #tpu.memory_space<vmem>>
        %dma_start3A_27 = tpu.memref_squeeze %dma_start3A_26 : memref<1x125xi32, #tpu.memory_space<vmem>> -> memref<125xi32, #tpu.memory_space<vmem>>
        %dma_start3A_28 = arith.constant 0 : i32
        %dma_start3A_29 = arith.constant 0 : i32
        %dma_start3A_30 = tpu.memref_slice %arg11[%dma_start3A_28, %dma_start3A_29] : memref<10112x16xf32, #tpu.memory_space<vmem_shared>> -> memref<10112x16xf32, #tpu.memory_space<vmem_shared>>
        tpu.enqueue_indirect_dma source(%arg9 : memref<125x16xf32, #tpu.memory_space<vmem>>) target(%dma_start3A_30 : memref<10112x16xf32, #tpu.memory_space<vmem_shared>>) offsets(%dma_start3A_27 : memref<125xi32, #tpu.memory_space<vmem>>) semaphore(%run_scoped3A : memref<!tpu.dma_semaphore, #tpu.memory_space<semaphore_mem>>) {add = true}
        %dma_wait3A_31 = arith.constant 0 : i32
        %dma_wait3A_32 = tpu.memref_slice %arg8[%scan3A_14, %dma_wait3A_31] : memref<80x125xi32, #tpu.memory_space<vmem>> -> memref<1x125xi32, #tpu.memory_space<vmem>>
        %dma_wait3A_33 = tpu.memref_squeeze %dma_wait3A_32 : memref<1x125xi32, #tpu.memory_space<vmem>> -> memref<125xi32, #tpu.memory_space<vmem>>
        %dma_wait3A_34 = arith.constant 0 : i32
        %dma_wait3A_35 = arith.constant 0 : i32
        %dma_wait3A_36 = tpu.memref_slice %arg11[%dma_wait3A_34, %dma_wait3A_35] : memref<10112x16xf32, #tpu.memory_space<vmem_shared>> -> memref<10112x16xf32, #tpu.memory_space<vmem_shared>>
        tpu.wait_indirect_dma semaphore(%run_scoped3A : memref<!tpu.dma_semaphore, #tpu.memory_space<semaphore_mem>>) src(%arg9 : memref<125x16xf32, #tpu.memory_space<vmem>>) dst(%dma_wait3A_36 : memref<10112x16xf32, #tpu.memory_space<vmem_shared>>)
        tpu.yield
      }) : () -> ()
    }
    %scan3A_7 = arith.constant 80 : i32
    %barrier3A_8 = arith.constant 0 : index
    tpu.barrier barrier_id(%barrier3A_8)
    %mul3A_9 = arith.constant 10112 : i32
    %mul3A_10 = arith.muli %arg0, %mul3A_9 : i32
    %mul3A_11 = arith.constant 632 : i32
    %mul3A_12 = arith.muli %arg1, %mul3A_11 : i32
    %add3A_13 = arith.addi %mul3A_10, %mul3A_12 : i32
    "tpu.region"() ({
      %run_scoped3A = tpu.sem_alloc : memref<!tpu.dma_semaphore, #tpu.memory_space<semaphore_mem>>
      %dma_start3A = arith.constant 0 : i32
      %dma_start3A_14 = tpu.memref_slice %arg6[%add3A_13, %dma_start3A] : memref<20224x16xf32, #tpu.memory_space<hbm>> -> memref<632x16xf32, #tpu.memory_space<hbm>>
      %dma_start3A_15 = arith.constant 0 : i32
      %dma_start3A_16 = tpu.memref_slice %arg11[%mul3A_2, %dma_start3A_15] : memref<10112x16xf32, #tpu.memory_space<vmem_shared>> -> memref<632x16xf32, #tpu.memory_space<vmem_shared>>
      tpu.enqueue_dma source(%dma_start3A_16 : memref<632x16xf32, #tpu.memory_space<vmem_shared>>) target(%dma_start3A_14 : memref<632x16xf32, #tpu.memory_space<hbm>>) target_semaphore(%run_scoped3A : memref<!tpu.dma_semaphore, #tpu.memory_space<semaphore_mem>>)
      %dma_wait3A = arith.constant 0 : i32
      %dma_wait3A_17 = tpu.memref_slice %arg6[%add3A_13, %dma_wait3A] : memref<20224x16xf32, #tpu.memory_space<hbm>> -> memref<632x16xf32, #tpu.memory_space<hbm>>
      %dma_wait3A_18 = arith.constant 0 : i32
      %dma_wait3A_19 = tpu.memref_slice %arg11[%mul3A_2, %dma_wait3A_18] : memref<10112x16xf32, #tpu.memory_space<vmem_shared>> -> memref<632x16xf32, #tpu.memory_space<vmem_shared>>
      tpu.wait_dma2 semaphore(%run_scoped3A : memref<!tpu.dma_semaphore, #tpu.memory_space<semaphore_mem>>) src(%dma_wait3A_19 : memref<632x16xf32, #tpu.memory_space<vmem_shared>>) dst(%dma_wait3A_17 : memref<632x16xf32, #tpu.memory_space<hbm>>)
      tpu.yield
    }) : () -> ()
    return
  }
}

#map = affine_map<(d0, d1) -> (0, 0, 0)>
#map1 = affine_map<(d0, d1) -> (0, 0)>
module attributes {stable_mosaic.version = 14 : i64} {
  func.func @_sc_pass1(%arg0: i32, %arg1: i32, %arg2: memref<32x80x125xi32, #tpu.memory_space<hbm>>, %arg3: memref<32x80x125xi32, #tpu.memory_space<hbm>>, %arg4: memref<10112x128xf32, #tpu.memory_space<hbm>>, %arg5: memref<632x128xf32, #tpu.memory_space<hbm>>, %arg6: memref<632x16xf32, #tpu.memory_space<hbm>>, %arg7: memref<125x16xf32, #tpu.memory_space<hbm>>, %arg8: memref<20224x128xf32, #tpu.memory_space<hbm>>, %arg9: memref<20224x16xf32, #tpu.memory_space<hbm>>, %arg10: memref<80x125xi32, #tpu.memory_space<vmem>>, %arg11: memref<80x125xi32, #tpu.memory_space<vmem>>, %arg12: memref<125x128xf32, #tpu.memory_space<vmem>>, %arg13: memref<125x16xf32, #tpu.memory_space<vmem>>, %arg14: memref<10112x128xf32, #tpu.memory_space<vmem_shared>>, %arg15: memref<10112x16xf32, #tpu.memory_space<vmem_shared>>, %arg16: memref<!tpu.dma_semaphore, #tpu.memory_space<semaphore_mem>>) attributes {dimension_semantics = [#tpu.dimension_semantics<core_parallel>, #tpu.dimension_semantics<subcore_parallel>], iteration_bounds = array<i64: 2, 16>, scalar_prefetch = 0 : i64, scratch_operands = 7 : i64, tpu.core_type = #tpu.core_type<sc_vector_subcore>, window_params = [{transform_indices = #map}, {transform_indices = #map}, {transform_indices = #map1}, {transform_indices = #map1}, {transform_indices = #map1}, {transform_indices = #map1}, {transform_indices = #map1}, {transform_indices = #map1}]} {
    %mul3A = arith.constant 16 : i32
    %mul3A_0 = arith.muli %arg0, %mul3A : i32
    %add3A = arith.addi %mul3A_0, %arg1 : i32
    %mul3A_1 = arith.constant 632 : i32
    %mul3A_2 = arith.muli %arg1, %mul3A_1 : i32
    "tpu.region"() ({
      %run_scoped3A = tpu.sem_alloc : memref<!tpu.dma_semaphore, #tpu.memory_space<semaphore_mem>>
      %dma_start3A = arith.constant 0 : i32
      %dma_start3A_19 = tpu.memref_slice %arg14[%mul3A_2, %dma_start3A] : memref<10112x128xf32, #tpu.memory_space<vmem_shared>> -> memref<632x128xf32, #tpu.memory_space<vmem_shared>>
      tpu.enqueue_dma source(%arg5 : memref<632x128xf32, #tpu.memory_space<hbm>>) target(%dma_start3A_19 : memref<632x128xf32, #tpu.memory_space<vmem_shared>>) target_semaphore(%run_scoped3A : memref<!tpu.dma_semaphore, #tpu.memory_space<semaphore_mem>>)
      %dma_wait3A = arith.constant 0 : i32
      %dma_wait3A_20 = tpu.memref_slice %arg14[%mul3A_2, %dma_wait3A] : memref<10112x128xf32, #tpu.memory_space<vmem_shared>> -> memref<632x128xf32, #tpu.memory_space<vmem_shared>>
      tpu.wait_dma2 semaphore(%run_scoped3A : memref<!tpu.dma_semaphore, #tpu.memory_space<semaphore_mem>>) src(%arg5 : memref<632x128xf32, #tpu.memory_space<hbm>>) dst(%dma_wait3A_20 : memref<632x128xf32, #tpu.memory_space<vmem_shared>>)
      tpu.yield
    }) : () -> ()
    "tpu.region"() ({
      %run_scoped3A = tpu.sem_alloc : memref<!tpu.dma_semaphore, #tpu.memory_space<semaphore_mem>>
      %dma_start3A = arith.constant 0 : i32
      %dma_start3A_19 = tpu.memref_slice %arg15[%mul3A_2, %dma_start3A] : memref<10112x16xf32, #tpu.memory_space<vmem_shared>> -> memref<632x16xf32, #tpu.memory_space<vmem_shared>>
      tpu.enqueue_dma source(%arg6 : memref<632x16xf32, #tpu.memory_space<hbm>>) target(%dma_start3A_19 : memref<632x16xf32, #tpu.memory_space<vmem_shared>>) target_semaphore(%run_scoped3A : memref<!tpu.dma_semaphore, #tpu.memory_space<semaphore_mem>>)
      %dma_wait3A = arith.constant 0 : i32
      %dma_wait3A_20 = tpu.memref_slice %arg15[%mul3A_2, %dma_wait3A] : memref<10112x16xf32, #tpu.memory_space<vmem_shared>> -> memref<632x16xf32, #tpu.memory_space<vmem_shared>>
      tpu.wait_dma2 semaphore(%run_scoped3A : memref<!tpu.dma_semaphore, #tpu.memory_space<semaphore_mem>>) src(%arg6 : memref<632x16xf32, #tpu.memory_space<hbm>>) dst(%dma_wait3A_20 : memref<632x16xf32, #tpu.memory_space<vmem_shared>>)
      tpu.yield
    }) : () -> ()
    "tpu.region"() ({
      %run_scoped3A = tpu.sem_alloc : memref<!tpu.dma_semaphore, #tpu.memory_space<semaphore_mem>>
      %dma_start3A = arith.constant 0 : i32
      %dma_start3A_19 = arith.constant 0 : i32
      %dma_start3A_20 = tpu.memref_slice %arg2[%add3A, %dma_start3A, %dma_start3A_19] : memref<32x80x125xi32, #tpu.memory_space<hbm>> -> memref<1x80x125xi32, #tpu.memory_space<hbm>>
      %dma_start3A_21 = tpu.memref_squeeze %dma_start3A_20 : memref<1x80x125xi32, #tpu.memory_space<hbm>> -> memref<80x125xi32, #tpu.memory_space<hbm>>
      %dma_start3A_22 = arith.constant 0 : i32
      %dma_start3A_23 = arith.constant 0 : i32
      %dma_start3A_24 = tpu.memref_slice %arg2[%add3A, %dma_start3A_22, %dma_start3A_23] : memref<32x80x125xi32, #tpu.memory_space<hbm>> -> memref<1x80x125xi32, #tpu.memory_space<hbm>>
      %dma_start3A_25 = tpu.memref_squeeze %dma_start3A_24 : memref<1x80x125xi32, #tpu.memory_space<hbm>> -> memref<80x125xi32, #tpu.memory_space<hbm>>
      tpu.enqueue_dma source(%dma_start3A_25 : memref<80x125xi32, #tpu.memory_space<hbm>>) target(%arg10 : memref<80x125xi32, #tpu.memory_space<vmem>>) target_semaphore(%run_scoped3A : memref<!tpu.dma_semaphore, #tpu.memory_space<semaphore_mem>>)
      %dma_wait3A = arith.constant 0 : i32
      %dma_wait3A_26 = arith.constant 0 : i32
      %dma_wait3A_27 = tpu.memref_slice %arg2[%add3A, %dma_wait3A, %dma_wait3A_26] : memref<32x80x125xi32, #tpu.memory_space<hbm>> -> memref<1x80x125xi32, #tpu.memory_space<hbm>>
      %dma_wait3A_28 = tpu.memref_squeeze %dma_wait3A_27 : memref<1x80x125xi32, #tpu.memory_space<hbm>> -> memref<80x125xi32, #tpu.memory_space<hbm>>
      %dma_wait3A_29 = arith.constant 0 : i32
      %dma_wait3A_30 = arith.constant 0 : i32
      %dma_wait3A_31 = tpu.memref_slice %arg2[%add3A, %dma_wait3A_29, %dma_wait3A_30] : memref<32x80x125xi32, #tpu.memory_space<hbm>> -> memref<1x80x125xi32, #tpu.memory_space<hbm>>
      %dma_wait3A_32 = tpu.memref_squeeze %dma_wait3A_31 : memref<1x80x125xi32, #tpu.memory_space<hbm>> -> memref<80x125xi32, #tpu.memory_space<hbm>>
      tpu.wait_dma2 semaphore(%run_scoped3A : memref<!tpu.dma_semaphore, #tpu.memory_space<semaphore_mem>>) src(%dma_wait3A_32 : memref<80x125xi32, #tpu.memory_space<hbm>>) dst(%arg10 : memref<80x125xi32, #tpu.memory_space<vmem>>)
      tpu.yield
    }) : () -> ()
    "tpu.region"() ({
      %run_scoped3A = tpu.sem_alloc : memref<!tpu.dma_semaphore, #tpu.memory_space<semaphore_mem>>
      %dma_start3A = arith.constant 0 : i32
      %dma_start3A_19 = arith.constant 0 : i32
      %dma_start3A_20 = tpu.memref_slice %arg3[%add3A, %dma_start3A, %dma_start3A_19] : memref<32x80x125xi32, #tpu.memory_space<hbm>> -> memref<1x80x125xi32, #tpu.memory_space<hbm>>
      %dma_start3A_21 = tpu.memref_squeeze %dma_start3A_20 : memref<1x80x125xi32, #tpu.memory_space<hbm>> -> memref<80x125xi32, #tpu.memory_space<hbm>>
      %dma_start3A_22 = arith.constant 0 : i32
      %dma_start3A_23 = arith.constant 0 : i32
      %dma_start3A_24 = tpu.memref_slice %arg3[%add3A, %dma_start3A_22, %dma_start3A_23] : memref<32x80x125xi32, #tpu.memory_space<hbm>> -> memref<1x80x125xi32, #tpu.memory_space<hbm>>
      %dma_start3A_25 = tpu.memref_squeeze %dma_start3A_24 : memref<1x80x125xi32, #tpu.memory_space<hbm>> -> memref<80x125xi32, #tpu.memory_space<hbm>>
      tpu.enqueue_dma source(%dma_start3A_25 : memref<80x125xi32, #tpu.memory_space<hbm>>) target(%arg11 : memref<80x125xi32, #tpu.memory_space<vmem>>) target_semaphore(%run_scoped3A : memref<!tpu.dma_semaphore, #tpu.memory_space<semaphore_mem>>)
      %dma_wait3A = arith.constant 0 : i32
      %dma_wait3A_26 = arith.constant 0 : i32
      %dma_wait3A_27 = tpu.memref_slice %arg3[%add3A, %dma_wait3A, %dma_wait3A_26] : memref<32x80x125xi32, #tpu.memory_space<hbm>> -> memref<1x80x125xi32, #tpu.memory_space<hbm>>
      %dma_wait3A_28 = tpu.memref_squeeze %dma_wait3A_27 : memref<1x80x125xi32, #tpu.memory_space<hbm>> -> memref<80x125xi32, #tpu.memory_space<hbm>>
      %dma_wait3A_29 = arith.constant 0 : i32
      %dma_wait3A_30 = arith.constant 0 : i32
      %dma_wait3A_31 = tpu.memref_slice %arg3[%add3A, %dma_wait3A_29, %dma_wait3A_30] : memref<32x80x125xi32, #tpu.memory_space<hbm>> -> memref<1x80x125xi32, #tpu.memory_space<hbm>>
      %dma_wait3A_32 = tpu.memref_squeeze %dma_wait3A_31 : memref<1x80x125xi32, #tpu.memory_space<hbm>> -> memref<80x125xi32, #tpu.memory_space<hbm>>
      tpu.wait_dma2 semaphore(%run_scoped3A : memref<!tpu.dma_semaphore, #tpu.memory_space<semaphore_mem>>) src(%dma_wait3A_32 : memref<80x125xi32, #tpu.memory_space<hbm>>) dst(%arg11 : memref<80x125xi32, #tpu.memory_space<vmem>>)
      tpu.yield
    }) : () -> ()
    "tpu.region"() ({
      %run_scoped3A = tpu.sem_alloc : memref<!tpu.dma_semaphore, #tpu.memory_space<semaphore_mem>>
      tpu.enqueue_dma source(%arg7 : memref<125x16xf32, #tpu.memory_space<hbm>>) target(%arg13 : memref<125x16xf32, #tpu.memory_space<vmem>>) target_semaphore(%run_scoped3A : memref<!tpu.dma_semaphore, #tpu.memory_space<semaphore_mem>>)
      tpu.wait_dma2 semaphore(%run_scoped3A : memref<!tpu.dma_semaphore, #tpu.memory_space<semaphore_mem>>) src(%arg7 : memref<125x16xf32, #tpu.memory_space<hbm>>) dst(%arg13 : memref<125x16xf32, #tpu.memory_space<vmem>>)
      tpu.yield
    }) : () -> ()
    %barrier3A = arith.constant 0 : index
    tpu.barrier barrier_id(%barrier3A)
    %scan3A = arith.constant 0 : i32
    %scan3A_3 = arith.constant 0 : i32
    %scan3A_4 = arith.constant 80 : i32
    %scan3A_5 = arith.addi %scan3A_3, %scan3A_4 : i32
    %scan3A_6 = arith.constant 1 : i32
    scf.for %scan3A_19 = %scan3A_3 to %scan3A_5 step %scan3A_6  : i32 {
      %dma_start3A = arith.constant 0 : i32
      %dma_start3A_20 = tpu.memref_slice %arg10[%scan3A_19, %dma_start3A] : memref<80x125xi32, #tpu.memory_space<vmem>> -> memref<1x125xi32, #tpu.memory_space<vmem>>
      %dma_start3A_21 = tpu.memref_squeeze %dma_start3A_20 : memref<1x125xi32, #tpu.memory_space<vmem>> -> memref<125xi32, #tpu.memory_space<vmem>>
      %dma_start3A_22 = arith.constant 0 : i32
      %dma_start3A_23 = arith.constant 0 : i32
      %dma_start3A_24 = tpu.memref_slice %arg4[%dma_start3A_22, %dma_start3A_23] : memref<10112x128xf32, #tpu.memory_space<hbm>> -> memref<10112x128xf32, #tpu.memory_space<hbm>>
      tpu.enqueue_indirect_dma source(%dma_start3A_24 : memref<10112x128xf32, #tpu.memory_space<hbm>>) target(%arg12 : memref<125x128xf32, #tpu.memory_space<vmem>>) offsets(%dma_start3A_21 : memref<125xi32, #tpu.memory_space<vmem>>) semaphore(%arg16 : memref<!tpu.dma_semaphore, #tpu.memory_space<semaphore_mem>>)
      %dma_wait3A = arith.constant 0 : i32
      %dma_wait3A_25 = tpu.memref_slice %arg10[%scan3A_19, %dma_wait3A] : memref<80x125xi32, #tpu.memory_space<vmem>> -> memref<1x125xi32, #tpu.memory_space<vmem>>
      %dma_wait3A_26 = tpu.memref_squeeze %dma_wait3A_25 : memref<1x125xi32, #tpu.memory_space<vmem>> -> memref<125xi32, #tpu.memory_space<vmem>>
      %dma_wait3A_27 = arith.constant 0 : i32
      %dma_wait3A_28 = arith.constant 0 : i32
      %dma_wait3A_29 = tpu.memref_slice %arg4[%dma_wait3A_27, %dma_wait3A_28] : memref<10112x128xf32, #tpu.memory_space<hbm>> -> memref<10112x128xf32, #tpu.memory_space<hbm>>
      tpu.wait_indirect_dma semaphore(%arg16 : memref<!tpu.dma_semaphore, #tpu.memory_space<semaphore_mem>>) src(%dma_wait3A_29 : memref<10112x128xf32, #tpu.memory_space<hbm>>) dst(%arg12 : memref<125x128xf32, #tpu.memory_space<vmem>>)
      "tpu.region"() ({
        %run_scoped3A = tpu.sem_alloc : memref<!tpu.dma_semaphore, #tpu.memory_space<semaphore_mem>>
        %dma_start3A_30 = arith.constant 0 : i32
        %dma_start3A_31 = tpu.memref_slice %arg11[%scan3A_19, %dma_start3A_30] : memref<80x125xi32, #tpu.memory_space<vmem>> -> memref<1x125xi32, #tpu.memory_space<vmem>>
        %dma_start3A_32 = tpu.memref_squeeze %dma_start3A_31 : memref<1x125xi32, #tpu.memory_space<vmem>> -> memref<125xi32, #tpu.memory_space<vmem>>
        %dma_start3A_33 = arith.constant 0 : i32
        %dma_start3A_34 = arith.constant 0 : i32
        %dma_start3A_35 = tpu.memref_slice %arg14[%dma_start3A_33, %dma_start3A_34] : memref<10112x128xf32, #tpu.memory_space<vmem_shared>> -> memref<10112x128xf32, #tpu.memory_space<vmem_shared>>
        tpu.enqueue_indirect_dma source(%arg12 : memref<125x128xf32, #tpu.memory_space<vmem>>) target(%dma_start3A_35 : memref<10112x128xf32, #tpu.memory_space<vmem_shared>>) offsets(%dma_start3A_32 : memref<125xi32, #tpu.memory_space<vmem>>) semaphore(%run_scoped3A : memref<!tpu.dma_semaphore, #tpu.memory_space<semaphore_mem>>) {add = true}
        %dma_wait3A_36 = arith.constant 0 : i32
        %dma_wait3A_37 = tpu.memref_slice %arg11[%scan3A_19, %dma_wait3A_36] : memref<80x125xi32, #tpu.memory_space<vmem>> -> memref<1x125xi32, #tpu.memory_space<vmem>>
        %dma_wait3A_38 = tpu.memref_squeeze %dma_wait3A_37 : memref<1x125xi32, #tpu.memory_space<vmem>> -> memref<125xi32, #tpu.memory_space<vmem>>
        %dma_wait3A_39 = arith.constant 0 : i32
        %dma_wait3A_40 = arith.constant 0 : i32
        %dma_wait3A_41 = tpu.memref_slice %arg14[%dma_wait3A_39, %dma_wait3A_40] : memref<10112x128xf32, #tpu.memory_space<vmem_shared>> -> memref<10112x128xf32, #tpu.memory_space<vmem_shared>>
        tpu.wait_indirect_dma semaphore(%run_scoped3A : memref<!tpu.dma_semaphore, #tpu.memory_space<semaphore_mem>>) src(%arg12 : memref<125x128xf32, #tpu.memory_space<vmem>>) dst(%dma_wait3A_41 : memref<10112x128xf32, #tpu.memory_space<vmem_shared>>)
        tpu.yield
      }) : () -> ()
      "tpu.region"() ({
        %run_scoped3A = tpu.sem_alloc : memref<!tpu.dma_semaphore, #tpu.memory_space<semaphore_mem>>
        %dma_start3A_30 = arith.constant 0 : i32
        %dma_start3A_31 = tpu.memref_slice %arg11[%scan3A_19, %dma_start3A_30] : memref<80x125xi32, #tpu.memory_space<vmem>> -> memref<1x125xi32, #tpu.memory_space<vmem>>
        %dma_start3A_32 = tpu.memref_squeeze %dma_start3A_31 : memref<1x125xi32, #tpu.memory_space<vmem>> -> memref<125xi32, #tpu.memory_space<vmem>>
        %dma_start3A_33 = arith.constant 0 : i32
        %dma_start3A_34 = arith.constant 0 : i32
        %dma_start3A_35 = tpu.memref_slice %arg15[%dma_start3A_33, %dma_start3A_34] : memref<10112x16xf32, #tpu.memory_space<vmem_shared>> -> memref<10112x16xf32, #tpu.memory_space<vmem_shared>>
        tpu.enqueue_indirect_dma source(%arg13 : memref<125x16xf32, #tpu.memory_space<vmem>>) target(%dma_start3A_35 : memref<10112x16xf32, #tpu.memory_space<vmem_shared>>) offsets(%dma_start3A_32 : memref<125xi32, #tpu.memory_space<vmem>>) semaphore(%run_scoped3A : memref<!tpu.dma_semaphore, #tpu.memory_space<semaphore_mem>>) {add = true}
        %dma_wait3A_36 = arith.constant 0 : i32
        %dma_wait3A_37 = tpu.memref_slice %arg11[%scan3A_19, %dma_wait3A_36] : memref<80x125xi32, #tpu.memory_space<vmem>> -> memref<1x125xi32, #tpu.memory_space<vmem>>
        %dma_wait3A_38 = tpu.memref_squeeze %dma_wait3A_37 : memref<1x125xi32, #tpu.memory_space<vmem>> -> memref<125xi32, #tpu.memory_space<vmem>>
        %dma_wait3A_39 = arith.constant 0 : i32
        %dma_wait3A_40 = arith.constant 0 : i32
        %dma_wait3A_41 = tpu.memref_slice %arg15[%dma_wait3A_39, %dma_wait3A_40] : memref<10112x16xf32, #tpu.memory_space<vmem_shared>> -> memref<10112x16xf32, #tpu.memory_space<vmem_shared>>
        tpu.wait_indirect_dma semaphore(%run_scoped3A : memref<!tpu.dma_semaphore, #tpu.memory_space<semaphore_mem>>) src(%arg13 : memref<125x16xf32, #tpu.memory_space<vmem>>) dst(%dma_wait3A_41 : memref<10112x16xf32, #tpu.memory_space<vmem_shared>>)
        tpu.yield
      }) : () -> ()
    }
    %scan3A_7 = arith.constant 80 : i32
    %barrier3A_8 = arith.constant 0 : index
    tpu.barrier barrier_id(%barrier3A_8)
    %mul3A_9 = arith.constant 10112 : i32
    %mul3A_10 = arith.muli %arg0, %mul3A_9 : i32
    %mul3A_11 = arith.constant 632 : i32
    %mul3A_12 = arith.muli %arg1, %mul3A_11 : i32
    %add3A_13 = arith.addi %mul3A_10, %mul3A_12 : i32
    "tpu.region"() ({
      %run_scoped3A = tpu.sem_alloc : memref<!tpu.dma_semaphore, #tpu.memory_space<semaphore_mem>>
      %dma_start3A = arith.constant 0 : i32
      %dma_start3A_19 = tpu.memref_slice %arg8[%add3A_13, %dma_start3A] : memref<20224x128xf32, #tpu.memory_space<hbm>> -> memref<632x128xf32, #tpu.memory_space<hbm>>
      %dma_start3A_20 = arith.constant 0 : i32
      %dma_start3A_21 = tpu.memref_slice %arg14[%mul3A_2, %dma_start3A_20] : memref<10112x128xf32, #tpu.memory_space<vmem_shared>> -> memref<632x128xf32, #tpu.memory_space<vmem_shared>>
      tpu.enqueue_dma source(%dma_start3A_21 : memref<632x128xf32, #tpu.memory_space<vmem_shared>>) target(%dma_start3A_19 : memref<632x128xf32, #tpu.memory_space<hbm>>) target_semaphore(%run_scoped3A : memref<!tpu.dma_semaphore, #tpu.memory_space<semaphore_mem>>)
      %dma_wait3A = arith.constant 0 : i32
      %dma_wait3A_22 = tpu.memref_slice %arg8[%add3A_13, %dma_wait3A] : memref<20224x128xf32, #tpu.memory_space<hbm>> -> memref<632x128xf32, #tpu.memory_space<hbm>>
      %dma_wait3A_23 = arith.constant 0 : i32
      %dma_wait3A_24 = tpu.memref_slice %arg14[%mul3A_2, %dma_wait3A_23] : memref<10112x128xf32, #tpu.memory_space<vmem_shared>> -> memref<632x128xf32, #tpu.memory_space<vmem_shared>>
      tpu.wait_dma2 semaphore(%run_scoped3A : memref<!tpu.dma_semaphore, #tpu.memory_space<semaphore_mem>>) src(%dma_wait3A_24 : memref<632x128xf32, #tpu.memory_space<vmem_shared>>) dst(%dma_wait3A_22 : memref<632x128xf32, #tpu.memory_space<hbm>>)
      tpu.yield
    }) : () -> ()
    %mul3A_14 = arith.constant 10112 : i32
    %mul3A_15 = arith.muli %arg0, %mul3A_14 : i32
    %mul3A_16 = arith.constant 632 : i32
    %mul3A_17 = arith.muli %arg1, %mul3A_16 : i32
    %add3A_18 = arith.addi %mul3A_15, %mul3A_17 : i32
    "tpu.region"() ({
      %run_scoped3A = tpu.sem_alloc : memref<!tpu.dma_semaphore, #tpu.memory_space<semaphore_mem>>
      %dma_start3A = arith.constant 0 : i32
      %dma_start3A_19 = tpu.memref_slice %arg9[%add3A_18, %dma_start3A] : memref<20224x16xf32, #tpu.memory_space<hbm>> -> memref<632x16xf32, #tpu.memory_space<hbm>>
      %dma_start3A_20 = arith.constant 0 : i32
      %dma_start3A_21 = tpu.memref_slice %arg15[%mul3A_2, %dma_start3A_20] : memref<10112x16xf32, #tpu.memory_space<vmem_shared>> -> memref<632x16xf32, #tpu.memory_space<vmem_shared>>
      tpu.enqueue_dma source(%dma_start3A_21 : memref<632x16xf32, #tpu.memory_space<vmem_shared>>) target(%dma_start3A_19 : memref<632x16xf32, #tpu.memory_space<hbm>>) target_semaphore(%run_scoped3A : memref<!tpu.dma_semaphore, #tpu.memory_space<semaphore_mem>>)
      %dma_wait3A = arith.constant 0 : i32
      %dma_wait3A_22 = tpu.memref_slice %arg9[%add3A_18, %dma_wait3A] : memref<20224x16xf32, #tpu.memory_space<hbm>> -> memref<632x16xf32, #tpu.memory_space<hbm>>
      %dma_wait3A_23 = arith.constant 0 : i32
      %dma_wait3A_24 = tpu.memref_slice %arg15[%mul3A_2, %dma_wait3A_23] : memref<10112x16xf32, #tpu.memory_space<vmem_shared>> -> memref<632x16xf32, #tpu.memory_space<vmem_shared>>
      tpu.wait_dma2 semaphore(%run_scoped3A : memref<!tpu.dma_semaphore, #tpu.memory_space<semaphore_mem>>) src(%dma_wait3A_24 : memref<632x16xf32, #tpu.memory_space<vmem_shared>>) dst(%dma_wait3A_22 : memref<632x16xf32, #tpu.memory_space<hbm>>)
      tpu.yield
    }) : () -> ()
    return
  }
}

module attributes {stable_mosaic.version = 14 : i64} {
  func.func @_tca(%arg0: i32, %arg1: memref<2x1264x128xf32, #tpu.memory_space<vmem>>, %arg2: memref<2x1264x16xf32, #tpu.memory_space<vmem>>, %arg3: memref<1264x128xf32, #tpu.memory_space<vmem>>, %arg4: memref<128x16xf32, #tpu.memory_space<vmem>>, %arg5: memref<128x16xf32, #tpu.memory_space<vmem>>, %arg6: memref<1x16xf32, #tpu.memory_space<vmem>>, %arg7: memref<1264x16xf32, #tpu.memory_space<vmem>>, %arg8: memref<1264x16xf32, #tpu.memory_space<vmem>>) attributes {dimension_semantics = [#tpu.dimension_semantics<arbitrary>], iteration_bounds = array<i64: 8>, scalar_prefetch = 0 : i64, scratch_operands = 0 : i64, tpu.core_type = #tpu.core_type<tc>, window_params = [{transform_indices = @transform_0, window_bounds = array<i64: 2, 1264, 128>}, {transform_indices = @transform_1, window_bounds = array<i64: 2, 1264, 16>}, {transform_indices = @transform_2, window_bounds = array<i64: 1264, 128>}, {pipeline_mode = #tpu.pipeline_mode<synchronous>, transform_indices = @transform_3, window_bounds = array<i64: 128, 16>}, {pipeline_mode = #tpu.pipeline_mode<synchronous>, transform_indices = @transform_4, window_bounds = array<i64: 128, 16>}, {pipeline_mode = #tpu.pipeline_mode<synchronous>, transform_indices = @transform_5, window_bounds = array<i64: 1, 16>}, {transform_indices = @transform_6, window_bounds = array<i64: 1264, 16>}, {transform_indices = @transform_7, window_bounds = array<i64: 1264, 16>}]} {
    %get3A = arith.constant 0 : index
    %get3A_0 = arith.constant 0 : index
    %get3A_1 = arith.constant 0 : index
    %get3A_2 = vector.load %arg1[%get3A, %get3A_0, %get3A_1] : memref<2x1264x128xf32, #tpu.memory_space<vmem>>, vector<1x1264x128xf32>
    %get3A_3 = vector.shape_cast %get3A_2 : vector<1x1264x128xf32> to vector<1264x128xf32>
    %get3A_4 = arith.constant 1 : index
    %get3A_5 = arith.constant 0 : index
    %get3A_6 = arith.constant 0 : index
    %get3A_7 = vector.load %arg1[%get3A_4, %get3A_5, %get3A_6] : memref<2x1264x128xf32, #tpu.memory_space<vmem>>, vector<1x1264x128xf32>
    %get3A_8 = vector.shape_cast %get3A_7 : vector<1x1264x128xf32> to vector<1264x128xf32>
    %add3A = arith.addf %get3A_3, %get3A_8 : vector<1264x128xf32>
    %get3A_9 = arith.constant 0 : index
    %get3A_10 = arith.constant 0 : index
    %get3A_11 = arith.constant 0 : index
    %get3A_12 = vector.load %arg2[%get3A_9, %get3A_10, %get3A_11] : memref<2x1264x16xf32, #tpu.memory_space<vmem>>, vector<1x1264x16xf32>
    %get3A_13 = vector.shape_cast %get3A_12 : vector<1x1264x16xf32> to vector<1264x16xf32>
    %get3A_14 = arith.constant 1 : index
    %get3A_15 = arith.constant 0 : index
    %get3A_16 = arith.constant 0 : index
    %get3A_17 = vector.load %arg2[%get3A_14, %get3A_15, %get3A_16] : memref<2x1264x16xf32, #tpu.memory_space<vmem>>, vector<1x1264x16xf32>
    %get3A_18 = vector.shape_cast %get3A_17 : vector<1x1264x16xf32> to vector<1264x16xf32>
    %add3A_19 = arith.addf %get3A_13, %get3A_18 : vector<1264x16xf32>
    %jit3A = arith.constant 1.000000e+00 : f32
    %max3A = vector.broadcast %jit3A : f32 to vector<1264x16xf32>
    %max3A_20 = arith.maximumf %max3A, %add3A_19 : vector<1264x16xf32>
    %concatenate3A = tpu.concatenate %max3A_20, %max3A_20, %max3A_20, %max3A_20, %max3A_20, %max3A_20, %max3A_20, %max3A_20 in 1 : vector<1264x16xf32>, vector<1264x16xf32>, vector<1264x16xf32>, vector<1264x16xf32>, vector<1264x16xf32>, vector<1264x16xf32>, vector<1264x16xf32>, vector<1264x16xf32> -> vector<1264x128xf32>
    %div3A = arith.divf %add3A, %concatenate3A : vector<1264x128xf32>
    %get3A_21 = arith.constant 0 : index
    %get3A_22 = arith.constant 0 : index
    %get3A_23 = vector.load %arg3[%get3A_21, %get3A_22] : memref<1264x128xf32, #tpu.memory_space<vmem>>, vector<1264x128xf32>
    %get3A_24 = arith.constant 0 : index
    %get3A_25 = arith.constant 0 : index
    %get3A_26 = vector.load %arg4[%get3A_24, %get3A_25] : memref<128x16xf32, #tpu.memory_space<vmem>>, vector<128x16xf32>
    %dot_general3A = arith.constant dense<0.000000e+00> : vector<1264x16xf32>
    %dot_general3A_27 = tpu.matmul %get3A_23, %get3A_26, %dot_general3A {dimension_numbers = #tpu.dot_dimension_numbers<[1], [0], [0], [1], [0, 0, 1, 1], [], []>, transpose_lhs_hint = false} : vector<1264x128xf32>, vector<128x16xf32>, vector<1264x16xf32> -> vector<1264x16xf32>
    %get3A_28 = arith.constant 0 : index
    %get3A_29 = arith.constant 0 : index
    %get3A_30 = vector.load %arg5[%get3A_28, %get3A_29] : memref<128x16xf32, #tpu.memory_space<vmem>>, vector<128x16xf32>
    %dot_general3A_31 = arith.constant dense<0.000000e+00> : vector<1264x16xf32>
    %dot_general3A_32 = tpu.matmul %div3A, %get3A_30, %dot_general3A_31 {dimension_numbers = #tpu.dot_dimension_numbers<[1], [0], [0], [1], [0, 0, 1, 1], [], []>, transpose_lhs_hint = false} : vector<1264x128xf32>, vector<128x16xf32>, vector<1264x16xf32> -> vector<1264x16xf32>
    %add3A_33 = arith.addf %dot_general3A_27, %dot_general3A_32 : vector<1264x16xf32>
    %get3A_34 = arith.constant 0 : index
    %get3A_35 = arith.constant 0 : index
    %get3A_36 = vector.load %arg6[%get3A_34, %get3A_35] : memref<1x16xf32, #tpu.memory_space<vmem>>, vector<1x16xf32>
    %add3A_37 = vector.broadcast %get3A_36 : vector<1x16xf32> to vector<1264x16xf32>
    %add3A_38 = arith.addf %add3A_33, %add3A_37 : vector<1264x16xf32>
    %div3A_39 = arith.constant 4.032000e+04 : f32
    %div3A_40 = vector.broadcast %div3A_39 : f32 to vector<1264x16xf32>
    %div3A_41 = arith.divf %add3A_38, %div3A_40 : vector<1264x16xf32>
    %add3A_42 = arith.constant 1.98412701E-4 : f32
    %add3A_43 = vector.broadcast %add3A_42 : f32 to vector<1264x16xf32>
    %add3A_44 = arith.addf %add3A_43, %div3A_41 : vector<1264x16xf32>
    %mul3A = arith.mulf %add3A_38, %add3A_44 : vector<1264x16xf32>
    %add3A_45 = arith.constant 0.00138888892 : f32
    %add3A_46 = vector.broadcast %add3A_45 : f32 to vector<1264x16xf32>
    %add3A_47 = arith.addf %add3A_46, %mul3A : vector<1264x16xf32>
    %mul3A_48 = arith.mulf %add3A_38, %add3A_47 : vector<1264x16xf32>
    %add3A_49 = arith.constant 0.00833333377 : f32
    %add3A_50 = vector.broadcast %add3A_49 : f32 to vector<1264x16xf32>
    %add3A_51 = arith.addf %add3A_50, %mul3A_48 : vector<1264x16xf32>
    %mul3A_52 = arith.mulf %add3A_38, %add3A_51 : vector<1264x16xf32>
    %add3A_53 = arith.constant 0.0416666679 : f32
    %add3A_54 = vector.broadcast %add3A_53 : f32 to vector<1264x16xf32>
    %add3A_55 = arith.addf %add3A_54, %mul3A_52 : vector<1264x16xf32>
    %mul3A_56 = arith.mulf %add3A_38, %add3A_55 : vector<1264x16xf32>
    %add3A_57 = arith.constant 0.166666672 : f32
    %add3A_58 = vector.broadcast %add3A_57 : f32 to vector<1264x16xf32>
    %add3A_59 = arith.addf %add3A_58, %mul3A_56 : vector<1264x16xf32>
    %mul3A_60 = arith.mulf %add3A_38, %add3A_59 : vector<1264x16xf32>
    %add3A_61 = arith.constant 5.000000e-01 : f32
    %add3A_62 = vector.broadcast %add3A_61 : f32 to vector<1264x16xf32>
    %add3A_63 = arith.addf %add3A_62, %mul3A_60 : vector<1264x16xf32>
    %mul3A_64 = arith.mulf %add3A_38, %add3A_63 : vector<1264x16xf32>
    %add3A_65 = arith.constant 1.000000e+00 : f32
    %add3A_66 = vector.broadcast %add3A_65 : f32 to vector<1264x16xf32>
    %add3A_67 = arith.addf %add3A_66, %mul3A_64 : vector<1264x16xf32>
    %mul3A_68 = arith.mulf %add3A_38, %add3A_67 : vector<1264x16xf32>
    %gt3A = arith.constant -5.000000e-01 : f32
    %gt3A_69 = vector.broadcast %gt3A : f32 to vector<1264x16xf32>
    %gt3A_70 = arith.cmpf ogt, %add3A_38, %gt3A_69 : vector<1264x16xf32>
    %exp3A = math.exp %add3A_38 : vector<1264x16xf32>
    %sub3A = arith.constant 1.000000e+00 : f32
    %sub3A_71 = vector.broadcast %sub3A : f32 to vector<1264x16xf32>
    %sub3A_72 = arith.subf %exp3A, %sub3A_71 : vector<1264x16xf32>
    %select_n3A = arith.select %gt3A_70, %mul3A_68, %sub3A_72 : vector<1264x16xi1>, vector<1264x16xf32>
    %gt3A_73 = arith.constant 0.000000e+00 : f32
    %gt3A_74 = vector.broadcast %gt3A_73 : f32 to vector<1264x16xf32>
    %gt3A_75 = arith.cmpf ogt, %add3A_38, %gt3A_74 : vector<1264x16xf32>
    %select_n3A_76 = arith.select %gt3A_75, %add3A_38, %select_n3A : vector<1264x16xi1>, vector<1264x16xf32>
    %swap3A = arith.constant 0 : index
    %swap3A_77 = arith.constant 0 : index
    %swap3A_78 = vector.load %arg7[%swap3A, %swap3A_77] : memref<1264x16xf32, #tpu.memory_space<vmem>>, vector<1264x16xf32>
    tpu.vector_store %arg7[%swap3A, %swap3A_77], %select_n3A_76 {strides = array<i32>} : memref<1264x16xf32, #tpu.memory_space<vmem>>, vector<1264x16xf32>,
    %swap3A_79 = arith.constant 0 : index
    %swap3A_80 = arith.constant 0 : index
    %swap3A_81 = vector.load %arg8[%swap3A_79, %swap3A_80] : memref<1264x16xf32, #tpu.memory_space<vmem>>, vector<1264x16xf32>
    tpu.vector_store %arg8[%swap3A_79, %swap3A_80], %max3A_20 {strides = array<i32>} : memref<1264x16xf32, #tpu.memory_space<vmem>>, vector<1264x16xf32>,
    return
  }
  func.func @transform_0(%arg0: i32) -> (i32, i32, i32) {
    %c0_i32 = arith.constant 0 : i32
    %c0_i32_0 = arith.constant 0 : i32
    %c0_i32_1 = arith.constant 0 : i32
    return %c0_i32, %arg0, %c0_i32_0 : i32, i32, i32
  }
  func.func @transform_1(%arg0: i32) -> (i32, i32, i32) {
    %c0_i32 = arith.constant 0 : i32
    %c0_i32_0 = arith.constant 0 : i32
    %c0_i32_1 = arith.constant 0 : i32
    return %c0_i32, %arg0, %c0_i32_0 : i32, i32, i32
  }
  func.func @transform_2(%arg0: i32) -> (i32, i32) {
    %c0_i32 = arith.constant 0 : i32
    %c0_i32_0 = arith.constant 0 : i32
    return %arg0, %c0_i32 : i32, i32
  }
  func.func @transform_3(%arg0: i32) -> (i32, i32) {
    %c0_i32 = arith.constant 0 : i32
    %c0_i32_0 = arith.constant 0 : i32
    %c0_i32_1 = arith.constant 0 : i32
    return %c0_i32, %c0_i32_0 : i32, i32
  }
  func.func @transform_4(%arg0: i32) -> (i32, i32) {
    %c0_i32 = arith.constant 0 : i32
    %c0_i32_0 = arith.constant 0 : i32
    %c0_i32_1 = arith.constant 0 : i32
    return %c0_i32, %c0_i32_0 : i32, i32
  }
  func.func @transform_5(%arg0: i32) -> (i32, i32) {
    %c0_i32 = arith.constant 0 : i32
    %c0_i32_0 = arith.constant 0 : i32
    %c0_i32_1 = arith.constant 0 : i32
    return %c0_i32, %c0_i32_0 : i32, i32
  }
  func.func @transform_6(%arg0: i32) -> (i32, i32) {
    %c0_i32 = arith.constant 0 : i32
    %c0_i32_0 = arith.constant 0 : i32
    return %arg0, %c0_i32 : i32, i32
  }
  func.func @transform_7(%arg0: i32) -> (i32, i32) {
    %c0_i32 = arith.constant 0 : i32
    %c0_i32_0 = arith.constant 0 : i32
    return %arg0, %c0_i32 : i32, i32
  }
}

module attributes {stable_mosaic.version = 14 : i64} {
  func.func @_tcb(%arg0: memref<20224x16xf32, #tpu.memory_space<vmem>>, %arg1: memref<10112x16xf32, #tpu.memory_space<vmem>>, %arg2: memref<10112x16xf32, #tpu.memory_space<vmem>>, %arg3: memref<16x16xf32, #tpu.memory_space<vmem>>, %arg4: memref<16x16xf32, #tpu.memory_space<vmem>>, %arg5: memref<1x16xf32, #tpu.memory_space<vmem>>, %arg6: memref<1x16xf32, #tpu.memory_space<vmem>>, %arg7: memref<1x16xf32, #tpu.memory_space<vmem>>, %arg8: memref<1x16xf32, #tpu.memory_space<vmem>>, %arg9: memref<1x1xf32, #tpu.memory_space<vmem>>, %arg10: memref<1x32xf32, #tpu.memory_space<vmem>>, %arg11: memref<1x32xf32, #tpu.memory_space<vmem>>, %arg12: memref<32x32xf32, #tpu.memory_space<vmem>>, %arg13: memref<1x32xf32, #tpu.memory_space<vmem>>, %arg14: memref<32x32xf32, #tpu.memory_space<vmem>>, %arg15: memref<1x32xf32, #tpu.memory_space<vmem>>, %arg16: memref<32x1xf32, #tpu.memory_space<vmem>>, %arg17: memref<1x1xf32, #tpu.memory_space<vmem>>, %arg18: memref<32x32xf32, #tpu.memory_space<vmem>>, %arg19: memref<1x1xf32, #tpu.memory_space<vmem>>) attributes {dimension_semantics = [], scalar_prefetch = 0 : i64, scratch_operands = 0 : i64, tpu.core_type = #tpu.core_type<tc>} {
    %sqrt3A = arith.constant 1.000010e+00 : f32
    %sqrt3A_0 = math.sqrt %sqrt3A : f32
    %get3A = arith.constant 0 : index
    %get3A_1 = arith.constant 0 : index
    %get3A_2 = vector.load %arg0[%get3A, %get3A_1] : memref<20224x16xf32, #tpu.memory_space<vmem>>, vector<10112x16xf32>
    %get3A_3 = arith.constant 10112 : index
    %get3A_4 = arith.constant 0 : index
    %get3A_5 = vector.load %arg0[%get3A_3, %get3A_4] : memref<20224x16xf32, #tpu.memory_space<vmem>>, vector<10112x16xf32>
    %add3A = arith.addf %get3A_2, %get3A_5 : vector<10112x16xf32>
    %get3A_6 = arith.constant 0 : index
    %get3A_7 = arith.constant 0 : index
    %get3A_8 = vector.load %arg2[%get3A_6, %get3A_7] : memref<10112x16xf32, #tpu.memory_space<vmem>>, vector<10112x16xf32>
    %div3A = arith.divf %add3A, %get3A_8 : vector<10112x16xf32>
    %get3A_9 = arith.constant 0 : index
    %get3A_10 = arith.constant 0 : index
    %get3A_11 = vector.load %arg1[%get3A_9, %get3A_10] : memref<10112x16xf32, #tpu.memory_space<vmem>>, vector<10112x16xf32>
    %get3A_12 = arith.constant 0 : index
    %get3A_13 = arith.constant 0 : index
    %get3A_14 = vector.load %arg3[%get3A_12, %get3A_13] : memref<16x16xf32, #tpu.memory_space<vmem>>, vector<16x16xf32>
    %dot_general3A = arith.constant dense<0.000000e+00> : vector<10112x16xf32>
    %dot_general3A_15 = tpu.matmul %get3A_11, %get3A_14, %dot_general3A {dimension_numbers = #tpu.dot_dimension_numbers<[1], [0], [0], [1], [0, 0, 1, 1], [], []>, transpose_lhs_hint = false} : vector<10112x16xf32>, vector<16x16xf32>, vector<10112x16xf32> -> vector<10112x16xf32>
    %get3A_16 = arith.constant 0 : index
    %get3A_17 = arith.constant 0 : index
    %get3A_18 = vector.load %arg4[%get3A_16, %get3A_17] : memref<16x16xf32, #tpu.memory_space<vmem>>, vector<16x16xf32>
    %dot_general3A_19 = arith.constant dense<0.000000e+00> : vector<10112x16xf32>
    %dot_general3A_20 = tpu.matmul %div3A, %get3A_18, %dot_general3A_19 {dimension_numbers = #tpu.dot_dimension_numbers<[1], [0], [0], [1], [0, 0, 1, 1], [], []>, transpose_lhs_hint = false} : vector<10112x16xf32>, vector<16x16xf32>, vector<10112x16xf32> -> vector<10112x16xf32>
    %add3A_21 = arith.addf %dot_general3A_15, %dot_general3A_20 : vector<10112x16xf32>
    %get3A_22 = arith.constant 0 : index
    %get3A_23 = arith.constant 0 : index
    %get3A_24 = vector.load %arg5[%get3A_22, %get3A_23] : memref<1x16xf32, #tpu.memory_space<vmem>>, vector<1x16xf32>
    %add3A_25 = vector.broadcast %get3A_24 : vector<1x16xf32> to vector<10112x16xf32>
    %add3A_26 = arith.addf %add3A_21, %add3A_25 : vector<10112x16xf32>
    %slice3A = vector.extract_strided_slice %add3A_26 {offsets = [0, 0], sizes = [10000, 16], strides = [1, 1]} : vector<10112x16xf32> to vector<10000x16xf32>
    %div3A_27 = vector.broadcast %sqrt3A_0 : f32 to vector<10000x16xf32>
    %div3A_28 = arith.divf %slice3A, %div3A_27 : vector<10000x16xf32>
    %get3A_29 = arith.constant 0 : index
    %get3A_30 = arith.constant 0 : index
    %get3A_31 = vector.load %arg6[%get3A_29, %get3A_30] : memref<1x16xf32, #tpu.memory_space<vmem>>, vector<1x16xf32>
    %mul3A = vector.broadcast %get3A_31 : vector<1x16xf32> to vector<10000x16xf32>
    %mul3A_32 = arith.mulf %div3A_28, %mul3A : vector<10000x16xf32>
    %get3A_33 = arith.constant 0 : index
    %get3A_34 = arith.constant 0 : index
    %get3A_35 = vector.load %arg7[%get3A_33, %get3A_34] : memref<1x16xf32, #tpu.memory_space<vmem>>, vector<1x16xf32>
    %add3A_36 = vector.broadcast %get3A_35 : vector<1x16xf32> to vector<10000x16xf32>
    %add3A_37 = arith.addf %mul3A_32, %add3A_36 : vector<10000x16xf32>
    %get3A_38 = arith.constant 0 : index
    %get3A_39 = arith.constant 0 : index
    %get3A_40 = vector.load %arg8[%get3A_38, %get3A_39] : memref<1x16xf32, #tpu.memory_space<vmem>>, vector<1x16xf32>
    %mul3A_41 = vector.broadcast %get3A_40 : vector<1x16xf32> to vector<10000x16xf32>
    %mul3A_42 = arith.mulf %add3A_37, %mul3A_41 : vector<10000x16xf32>
    %reduce_sum3A = arith.constant dense<0.000000e+00> : vector<10000xf32>
    %reduce_sum3A_43 = vector.multi_reduction <add>, %mul3A_42, %reduce_sum3A [1] : vector<10000x16xf32> to vector<10000xf32>
    %broadcast_in_dim3A = vector.shape_cast %reduce_sum3A_43 : vector<10000xf32> to vector<10000x1xf32>
    %get3A_44 = arith.constant 0 : index
    %get3A_45 = arith.constant 0 : index
    %get3A_46 = vector.load %arg9[%get3A_44, %get3A_45] : memref<1x1xf32, #tpu.memory_space<vmem>>, vector<1x1xf32>
    %add3A_47 = vector.broadcast %get3A_46 : vector<1x1xf32> to vector<10000x1xf32>
    %add3A_48 = arith.addf %broadcast_in_dim3A, %add3A_47 : vector<10000x1xf32>
    %reduce_max3A = vector.shape_cast %add3A_48 : vector<10000x1xf32> to vector<1x10000x1xf32>
    %reduce_max3A_49 = arith.constant dense<0xFF800000> : vector<1xf32>
    %reduce_max3A_50 = vector.multi_reduction <maximumf>, %reduce_max3A, %reduce_max3A_49 [1, 2] : vector<1x10000x1xf32> to vector<1xf32>
    %reduce_max3A_51 = vector.shape_cast %reduce_max3A_50 : vector<1xf32> to vector<1x1x1xf32>
    %reduce_max3A_52 = vector.extract %reduce_max3A_51[0, 0, 0] : f32 from vector<1x1x1xf32>
    %sub3A = vector.broadcast %reduce_max3A_52 : f32 to vector<10000x1xf32>
    %sub3A_53 = arith.subf %add3A_48, %sub3A : vector<10000x1xf32>
    %exp3A = math.exp %sub3A_53 : vector<10000x1xf32>
    %reduce_sum3A_54 = vector.shape_cast %exp3A : vector<10000x1xf32> to vector<1x10000x1xf32>
    %reduce_sum3A_55 = arith.constant dense<0.000000e+00> : vector<1xf32>
    %reduce_sum3A_56 = vector.multi_reduction <add>, %reduce_sum3A_54, %reduce_sum3A_55 [1, 2] : vector<1x10000x1xf32> to vector<1xf32>
    %reduce_sum3A_57 = vector.shape_cast %reduce_sum3A_56 : vector<1xf32> to vector<1x1x1xf32>
    %reduce_sum3A_58 = vector.extract %reduce_sum3A_57[0, 0, 0] : f32 from vector<1x1x1xf32>
    %div3A_59 = vector.broadcast %reduce_sum3A_58 : f32 to vector<10000x1xf32>
    %div3A_60 = arith.divf %exp3A, %div3A_59 : vector<10000x1xf32>
    %mul3A_61 = vector.broadcast %div3A_60 : vector<10000x1xf32> to vector<10000x16xf32>
    %mul3A_62 = arith.mulf %mul3A_61, %slice3A : vector<10000x16xf32>
    %reduce_sum3A_63 = arith.constant dense<0.000000e+00> : vector<16xf32>
    %reduce_sum3A_64 = vector.multi_reduction <add>, %mul3A_62, %reduce_sum3A_63 [0] : vector<10000x16xf32> to vector<16xf32>
    %broadcast_in_dim3A_65 = vector.shape_cast %reduce_sum3A_64 : vector<16xf32> to vector<1x16xf32>
    %reduce_max3A_66 = arith.constant dense<0xFF800000> : vector<16xf32>
    %reduce_max3A_67 = vector.multi_reduction <maximumf>, %slice3A, %reduce_max3A_66 [0] : vector<10000x16xf32> to vector<16xf32>
    %broadcast_in_dim3A_68 = vector.shape_cast %reduce_max3A_67 : vector<16xf32> to vector<1x16xf32>
    %concatenate3A = tpu.concatenate %broadcast_in_dim3A_65, %broadcast_in_dim3A_68 in 1 : vector<1x16xf32>, vector<1x16xf32> -> vector<1x32xf32>
    %div3A_69 = arith.constant 4.032000e+04 : f32
    %div3A_70 = vector.broadcast %div3A_69 : f32 to vector<1x32xf32>
    %div3A_71 = arith.divf %concatenate3A, %div3A_70 : vector<1x32xf32>
    %add3A_72 = arith.constant 1.98412701E-4 : f32
    %add3A_73 = vector.broadcast %add3A_72 : f32 to vector<1x32xf32>
    %add3A_74 = arith.addf %add3A_73, %div3A_71 : vector<1x32xf32>
    %mul3A_75 = arith.mulf %concatenate3A, %add3A_74 : vector<1x32xf32>
    %add3A_76 = arith.constant 0.00138888892 : f32
    %add3A_77 = vector.broadcast %add3A_76 : f32 to vector<1x32xf32>
    %add3A_78 = arith.addf %add3A_77, %mul3A_75 : vector<1x32xf32>
    %mul3A_79 = arith.mulf %concatenate3A, %add3A_78 : vector<1x32xf32>
    %add3A_80 = arith.constant 0.00833333377 : f32
    %add3A_81 = vector.broadcast %add3A_80 : f32 to vector<1x32xf32>
    %add3A_82 = arith.addf %add3A_81, %mul3A_79 : vector<1x32xf32>
    %mul3A_83 = arith.mulf %concatenate3A, %add3A_82 : vector<1x32xf32>
    %add3A_84 = arith.constant 0.0416666679 : f32
    %add3A_85 = vector.broadcast %add3A_84 : f32 to vector<1x32xf32>
    %add3A_86 = arith.addf %add3A_85, %mul3A_83 : vector<1x32xf32>
    %mul3A_87 = arith.mulf %concatenate3A, %add3A_86 : vector<1x32xf32>
    %add3A_88 = arith.constant 0.166666672 : f32
    %add3A_89 = vector.broadcast %add3A_88 : f32 to vector<1x32xf32>
    %add3A_90 = arith.addf %add3A_89, %mul3A_87 : vector<1x32xf32>
    %mul3A_91 = arith.mulf %concatenate3A, %add3A_90 : vector<1x32xf32>
    %add3A_92 = arith.constant 5.000000e-01 : f32
    %add3A_93 = vector.broadcast %add3A_92 : f32 to vector<1x32xf32>
    %add3A_94 = arith.addf %add3A_93, %mul3A_91 : vector<1x32xf32>
    %mul3A_95 = arith.mulf %concatenate3A, %add3A_94 : vector<1x32xf32>
    %add3A_96 = arith.constant 1.000000e+00 : f32
    %add3A_97 = vector.broadcast %add3A_96 : f32 to vector<1x32xf32>
    %add3A_98 = arith.addf %add3A_97, %mul3A_95 : vector<1x32xf32>
    %mul3A_99 = arith.mulf %concatenate3A, %add3A_98 : vector<1x32xf32>
    %gt3A = arith.constant -5.000000e-01 : f32
    %gt3A_100 = vector.broadcast %gt3A : f32 to vector<1x32xf32>
    %gt3A_101 = arith.cmpf ogt, %concatenate3A, %gt3A_100 : vector<1x32xf32>
    %exp3A_102 = math.exp %concatenate3A : vector<1x32xf32>
    %sub3A_103 = arith.constant 1.000000e+00 : f32
    %sub3A_104 = vector.broadcast %sub3A_103 : f32 to vector<1x32xf32>
    %sub3A_105 = arith.subf %exp3A_102, %sub3A_104 : vector<1x32xf32>
    %select_n3A = arith.select %gt3A_101, %mul3A_99, %sub3A_105 : vector<1x32xi1>, vector<1x32xf32>
    %gt3A_106 = arith.constant 0.000000e+00 : f32
    %gt3A_107 = vector.broadcast %gt3A_106 : f32 to vector<1x32xf32>
    %gt3A_108 = arith.cmpf ogt, %concatenate3A, %gt3A_107 : vector<1x32xf32>
    %select_n3A_109 = arith.select %gt3A_108, %concatenate3A, %select_n3A : vector<1x32xi1>, vector<1x32xf32>
    %div3A_110 = vector.broadcast %sqrt3A_0 : f32 to vector<1x32xf32>
    %div3A_111 = arith.divf %select_n3A_109, %div3A_110 : vector<1x32xf32>
    %get3A_112 = arith.constant 0 : index
    %get3A_113 = arith.constant 0 : index
    %get3A_114 = vector.load %arg10[%get3A_112, %get3A_113] : memref<1x32xf32, #tpu.memory_space<vmem>>, vector<1x32xf32>
    %mul3A_115 = arith.mulf %div3A_111, %get3A_114 : vector<1x32xf32>
    %get3A_116 = arith.constant 0 : index
    %get3A_117 = arith.constant 0 : index
    %get3A_118 = vector.load %arg11[%get3A_116, %get3A_117] : memref<1x32xf32, #tpu.memory_space<vmem>>, vector<1x32xf32>
    %add3A_119 = arith.addf %mul3A_115, %get3A_118 : vector<1x32xf32>
    %get3A_120 = arith.constant 0 : index
    %get3A_121 = arith.constant 0 : index
    %get3A_122 = vector.load %arg18[%get3A_120, %get3A_121] : memref<32x32xf32, #tpu.memory_space<vmem>>, vector<32x32xf32>
    %get3A_123 = arith.constant 0 : index
    %get3A_124 = arith.constant 0 : index
    %get3A_125 = vector.load %arg12[%get3A_123, %get3A_124] : memref<32x32xf32, #tpu.memory_space<vmem>>, vector<32x32xf32>
    %mul3A_126 = vector.broadcast %add3A_119 : vector<1x32xf32> to vector<32x32xf32>
    %mul3A_127 = arith.mulf %get3A_122, %mul3A_126 : vector<32x32xf32>
    %reduce_sum3A_128 = arith.constant dense<0.000000e+00> : vector<32xf32>
    %reduce_sum3A_129 = vector.multi_reduction <add>, %mul3A_127, %reduce_sum3A_128 [1] : vector<32x32xf32> to vector<32xf32>
    %broadcast_in_dim3A_130 = vector.shape_cast %reduce_sum3A_129 : vector<32xf32> to vector<32x1xf32>
    %convert_element_type3A = arith.truncf %broadcast_in_dim3A_130 : vector<32x1xf32> to vector<32x1xbf16>
    %convert_element_type3A_131 = arith.extf %convert_element_type3A : vector<32x1xbf16> to vector<32x1xf32>
    %convert_element_type3A_132 = arith.truncf %get3A_125 : vector<32x32xf32> to vector<32x32xbf16>
    %convert_element_type3A_133 = arith.extf %convert_element_type3A_132 : vector<32x32xbf16> to vector<32x32xf32>
    %mul3A_134 = vector.broadcast %convert_element_type3A_131 : vector<32x1xf32> to vector<32x32xf32>
    %mul3A_135 = arith.mulf %mul3A_134, %convert_element_type3A_133 : vector<32x32xf32>
    %reduce_sum3A_136 = arith.constant dense<0.000000e+00> : vector<32xf32>
    %reduce_sum3A_137 = vector.multi_reduction <add>, %mul3A_135, %reduce_sum3A_136 [0] : vector<32x32xf32> to vector<32xf32>
    %broadcast_in_dim3A_138 = vector.shape_cast %reduce_sum3A_137 : vector<32xf32> to vector<1x32xf32>
    %get3A_139 = arith.constant 0 : index
    %get3A_140 = arith.constant 0 : index
    %get3A_141 = vector.load %arg13[%get3A_139, %get3A_140] : memref<1x32xf32, #tpu.memory_space<vmem>>, vector<1x32xf32>
    %add3A_142 = arith.addf %broadcast_in_dim3A_138, %get3A_141 : vector<1x32xf32>
    %max3A = arith.constant 0.000000e+00 : f32
    %max3A_143 = vector.broadcast %max3A : f32 to vector<1x32xf32>
    %max3A_144 = arith.maximumf %add3A_142, %max3A_143 : vector<1x32xf32>
    %get3A_145 = arith.constant 0 : index
    %get3A_146 = arith.constant 0 : index
    %get3A_147 = vector.load %arg14[%get3A_145, %get3A_146] : memref<32x32xf32, #tpu.memory_space<vmem>>, vector<32x32xf32>
    %mul3A_148 = vector.broadcast %max3A_144 : vector<1x32xf32> to vector<32x32xf32>
    %mul3A_149 = arith.mulf %get3A_122, %mul3A_148 : vector<32x32xf32>
    %reduce_sum3A_150 = arith.constant dense<0.000000e+00> : vector<32xf32>
    %reduce_sum3A_151 = vector.multi_reduction <add>, %mul3A_149, %reduce_sum3A_150 [1] : vector<32x32xf32> to vector<32xf32>
    %broadcast_in_dim3A_152 = vector.shape_cast %reduce_sum3A_151 : vector<32xf32> to vector<32x1xf32>
    %convert_element_type3A_153 = arith.truncf %broadcast_in_dim3A_152 : vector<32x1xf32> to vector<32x1xbf16>
    %convert_element_type3A_154 = arith.extf %convert_element_type3A_153 : vector<32x1xbf16> to vector<32x1xf32>
    %convert_element_type3A_155 = arith.truncf %get3A_147 : vector<32x32xf32> to vector<32x32xbf16>
    %convert_element_type3A_156 = arith.extf %convert_element_type3A_155 : vector<32x32xbf16> to vector<32x32xf32>
    %mul3A_157 = vector.broadcast %convert_element_type3A_154 : vector<32x1xf32> to vector<32x32xf32>
    %mul3A_158 = arith.mulf %mul3A_157, %convert_element_type3A_156 : vector<32x32xf32>
    %reduce_sum3A_159 = arith.constant dense<0.000000e+00> : vector<32xf32>
    %reduce_sum3A_160 = vector.multi_reduction <add>, %mul3A_158, %reduce_sum3A_159 [0] : vector<32x32xf32> to vector<32xf32>
    %broadcast_in_dim3A_161 = vector.shape_cast %reduce_sum3A_160 : vector<32xf32> to vector<1x32xf32>
    %get3A_162 = arith.constant 0 : index
    %get3A_163 = arith.constant 0 : index
    %get3A_164 = vector.load %arg15[%get3A_162, %get3A_163] : memref<1x32xf32, #tpu.memory_space<vmem>>, vector<1x32xf32>
    %add3A_165 = arith.addf %broadcast_in_dim3A_161, %get3A_164 : vector<1x32xf32>
    %max3A_166 = arith.constant 0.000000e+00 : f32
    %max3A_167 = vector.broadcast %max3A_166 : f32 to vector<1x32xf32>
    %max3A_168 = arith.maximumf %add3A_165, %max3A_167 : vector<1x32xf32>
    %get3A_169 = arith.constant 0 : index
    %get3A_170 = arith.constant 0 : index
    %get3A_171 = vector.load %arg16[%get3A_169, %get3A_170] : memref<32x1xf32, #tpu.memory_space<vmem>>, vector<32x1xf32>
    %mul3A_172 = vector.broadcast %max3A_168 : vector<1x32xf32> to vector<32x32xf32>
    %mul3A_173 = arith.mulf %get3A_122, %mul3A_172 : vector<32x32xf32>
    %reduce_sum3A_174 = arith.constant dense<0.000000e+00> : vector<32xf32>
    %reduce_sum3A_175 = vector.multi_reduction <add>, %mul3A_173, %reduce_sum3A_174 [1] : vector<32x32xf32> to vector<32xf32>
    %broadcast_in_dim3A_176 = vector.shape_cast %reduce_sum3A_175 : vector<32xf32> to vector<32x1xf32>
    %mul3A_177 = arith.mulf %broadcast_in_dim3A_176, %get3A_171 : vector<32x1xf32>
    %reduce_sum3A_178 = arith.constant dense<0.000000e+00> : vector<1xf32>
    %reduce_sum3A_179 = vector.multi_reduction <add>, %mul3A_177, %reduce_sum3A_178 [0] : vector<32x1xf32> to vector<1xf32>
    %broadcast_in_dim3A_180 = vector.shape_cast %reduce_sum3A_179 : vector<1xf32> to vector<1x1xf32>
    %get3A_181 = arith.constant 0 : index
    %get3A_182 = arith.constant 0 : index
    %get3A_183 = vector.load %arg17[%get3A_181, %get3A_182] : memref<1x1xf32, #tpu.memory_space<vmem>>, vector<1x1xf32>
    %add3A_184 = arith.addf %broadcast_in_dim3A_180, %get3A_183 : vector<1x1xf32>
    %swap3A = arith.constant 0 : index
    %swap3A_185 = arith.constant 0 : index
    %swap3A_186 = vector.load %arg19[%swap3A, %swap3A_185] : memref<1x1xf32, #tpu.memory_space<vmem>>, vector<1x1xf32>
    tpu.vector_store %arg19[%swap3A, %swap3A_185], %add3A_184 {strides = array<i32>} : memref<1x1xf32, #tpu.memory_space<vmem>>, vector<1x1xf32>,
    return
  }
}

</mosaic_0001>

<sc_bundles>
// kernel: kernel.6.cloned.1.call-start
scs
__scs_entry_jumppad:
0x0: {  	(pc) =	sbr.rel $0x88, $3  }
0x1: {  	(tag) =	ssettag $0x0;
	lr =	simm.s32 $0x1  }
0x2: {  	[smem:$0x3F8D] =	sst lr;
	_ =	strace $0xD0000000  }
0x3: {  	_ = 	snop  }
0x4: {  	_ = 	snop  }
0x5: {  	_ = 	snop  }
0x6: {  	_ = 	snop  }
0x7: {  	_ = 	snop  }
__scs_overlays_trampoline_lowered:
0x8: {  	[smem:$0x3F9C] =	sst s0  }
0x9: {  	[smem:$0x3F9D] =	sst s1  }
0xa: {  	[smem:$0x3F9E] =	sst s2  }
0xb: {  	[smem:$0x3F9F] =	sst s3  }
0xc: {  	[smem:$0x3FA0] =	sst s4  }
0xd: {  	[smem:$0x3FA1] =	sst s5  }
0xe: {  	[smem:$0x3FA2] =	sst s6  }
0xf: {  	[smem:$0x3FA3] =	sst s7  }
0x10: {  	[smem:$0x3FA4] =	sst s8  }
0x11: {  	[smem:$0x3FA5] =	sst s9;
	s0 =	simm.s32 @!p0 $0x0  }
0x12: {  	s1 =	sld [smem:$0x3F8B];
	s0 =	simm.s32 @p0 $0x1  }
0x13: {  	[smem:$0x3FA6] =	sst s0;
	s0 =	simm.s32 @!p1 $0x0  }
0x14: {  	s2 =	sld [smem:$0x3F8A];
	s0 =	simm.s32 @p1 $0x1  }
0x15: {  	[smem:$0x3FA7] =	sst s0;
	s0 =	simm.s32 @!p2 $0x0  }
0x16: {  	s3 =	sld [smem:$0x3FDB];
	s0 =	simm.s32 @p2 $0x1  }
0x17: {  	s4 =	simm.s32 $0x1BF5;
	[smem:$0x3FA9] =	sst s0  }
0x18: {  	s0 =	sld [smem:$0x3F8C];
	_ =	swait.ge [sflag:s4], $0x0  }
0x19: {  	s7 =	sld [smem:$0x3F8D]  }
0x1a: {  	s8 =	sadd.s32 $0xFFFFE003, lr  }
0x1b: {  	s9 =	sadd.s32 $0xFFFFFEF7, lr;
	s5 =	simm.s32 $0xFFFFFFFF;
	p2 =	slt.u32 s8, $0xFFFFF086  }
0x1c: {  	p1 =	slt.u32 s9, $0xF7A;
	s5 =	simm.s32 @!p2 $0x0  }
0x1d: {  	s5 =	simm.s32 @p1 $0x1;
	p0 =	seq.s32 s7, s2  }
0x1e: {  	s7 =	smul.u32 @!p0 $0xF7A, s2;
	p2 =	seq.s32 @!p0 s5, $0x0  }
0x1f: {  	s9 =	smul.u32 $0xF7A, s1;
	s8 =	simm.s32 @!p0 $0x1BF5;
	p2 =	por !p2, p0  }
0x20: {  	[sflag:s8] =	ssyncset.s32 @!p0 $0xFFFFF086;
	s6 =	sadd.s32 @!p0 s3, s7;
	s7 =	simm.s32 @!p0 $0x108  }
0x21: {  	s3 =	sadd.s32 s3, s9;
	s6 =	sadd.s32 @!p0 $0x88, s6;
	s7 =	simm.s32 @p2 $0x1082  }
0x22: {  	[simem:s7], [sflag:s8] =	dma.local @!p0 [hbm:s6], $0xF7A  }
0x23: {  	s9 =	sor.u32 $0xD0000000, s2;
	s6 =	simm.s32 $0x108;
	_ =	swait.ge @!p0 [sflag:s8], $0x0  }
0x24: {  	s3 =	sadd.s32 $0x88, s3;
	s6 =	simm.s32 @!p1 $0x1082;
	[sflag:s4] =	ssyncset.s32 $0xFFFFF086  }
0x25: {  	[simem:s6], [sflag:s4] =	dma.local [hbm:s3], $0xF7A  }
0x26: {  	[smem:$0x3F8D] =	sst s1;
	(tag) =	ssettag s2;
	_ =	strace s9  }
0x27: {  	s1 =	sld [smem:$0x3F9D]  }
0x28: {  	s2 =	sld [smem:$0x3F9E]  }
0x29: {  	s4 =	sld [smem:$0x3FA0]  }
0x2a: {  	p0 =	seq.s32 s5, $0x0;
	s5 =	sld [smem:$0x3FA1]  }
0x2b: {  	s6 =	sld [smem:$0x3FA2]  }
0x2c: {  	s7 =	sld [smem:$0x3FA3]  }
0x2d: {  	s3 =	simm.s32 $0x108;
	s8 =	sld [smem:$0x3FA4]  }
0x2e: {  	s3 =	simm.s32 @!p0 $0x1082;
	s9 =	sld [smem:$0x3FA5]  }
0x2f: {  	lr =	sadd.s32 s0, s3;
	s0 =	sld [smem:$0x3F9C]  }
0x30: {  	s3 =	sld [smem:$0x3F9F]  }
0x31: {  	[smem:$0x3FA8] =	sst s10  }
0x32: {  	s10 =	sld [smem:$0x3FA6];
	_ =	sdelay $0x3  }
0x33: {  	p0 =	seq.s32 s10, $0x1;
	s10 =	sld [smem:$0x3FA8];
	_ =	sdelay $0x3  }
0x34: {  	[smem:$0x3FA8] =	sst s10  }
0x35: {  	s10 =	sld [smem:$0x3FA7];
	_ =	sdelay $0x3  }
0x36: {  	p1 =	seq.s32 s10, $0x1;
	s10 =	sld [smem:$0x3FA8];
	_ =	sdelay $0x3  }
0x37: {  	[smem:$0x3FA8] =	sst s10  }
0x38: {  	s10 =	sld [smem:$0x3FA9]  }
0x39: {  	_ = 	snop;
	(pc) =	sbr.ind lr, $3  }
0x3a: {  	_ = 	snop  }
0x3b: {  	_ = 	snop  }
0x3c: {  	p2 =	seq.s32 s10, $0x1;
	s10 =	sld [smem:$0x3FA8]  }
0x3d: {  	_ =	shalt  }
0x3e: {  	_ =	shalt  }
0x3f: {  	_ =	shalt  }
0x40: {  	_ =	shalt  }
0x41: {  	_ =	shalt  }
0x42: {  	_ =	shalt  }
0x43: {  	_ =	shalt  }
0x44: {  	_ =	shalt  }
0x45: {  	_ =	shalt  }
0x46: {  	_ =	shalt  }
0x47: {  	_ =	shalt  }
0x48: {  	_ =	shalt  }
0x49: {  	_ =	shalt  }
0x4a: {  	_ =	shalt  }
0x4b: {  	_ =	shalt  }
0x4c: {  	_ =	shalt  }
0x4d: {  	_ =	shalt  }
0x4e: {  	_ =	shalt  }
0x4f: {  	_ =	shalt  }
0x50: {  	_ =	shalt  }
0x51: {  	_ =	shalt  }
0x52: {  	_ =	shalt  }
0x53: {  	_ =	shalt  }
0x54: {  	_ =	shalt  }
0x55: {  	_ =	shalt  }
0x56: {  	_ =	shalt  }
0x57: {  	_ =	shalt  }
0x58: {  	_ =	shalt  }
0x59: {  	_ =	shalt  }
0x5a: {  	_ =	shalt  }
0x5b: {  	_ =	shalt  }
0x5c: {  	_ =	shalt  }
0x5d: {  	_ =	shalt  }
0x5e: {  	_ =	shalt  }
0x5f: {  	_ =	shalt  }
0x60: {  	_ =	shalt  }
0x61: {  	_ =	shalt  }
0x62: {  	_ =	shalt  }
0x63: {  	_ =	shalt  }
0x64: {  	_ =	shalt  }
0x65: {  	_ =	shalt  }
0x66: {  	_ =	shalt  }
0x67: {  	_ =	shalt  }
0x68: {  	_ =	shalt  }
0x69: {  	_ =	shalt  }
0x6a: {  	_ =	shalt  }
0x6b: {  	_ =	shalt  }
0x6c: {  	_ =	shalt  }
0x6d: {  	_ =	shalt  }
0x6e: {  	_ =	shalt  }
0x6f: {  	_ =	shalt  }
0x70: {  	_ =	shalt  }
0x71: {  	_ =	shalt  }
0x72: {  	_ =	shalt  }
0x73: {  	_ =	shalt  }
0x74: {  	_ =	shalt  }
0x75: {  	_ =	shalt  }
0x76: {  	_ =	shalt  }
0x77: {  	_ =	shalt  }
0x78: {  	_ =	shalt  }
0x79: {  	_ =	shalt  }
0x7a: {  	_ =	shalt  }
0x7b: {  	_ =	shalt  }
0x7c: {  	_ =	shalt  }
0x7d: {  	_ =	shalt  }
0x7e: {  	_ =	shalt  }
0x7f: {  	_ =	shalt  }
0x80: {  	_ =	shalt  }
0x81: {  	_ =	shalt  }
0x82: {  	_ =	shalt  }
0x83: {  	_ =	shalt  }
0x84: {  	_ =	shalt  }
0x85: {  	_ =	shalt  }
0x86: {  	_ =	shalt  }
0x87: {  	_ =	shalt  }
.Lfunc_end0:
.L_simem_size_0:
called_computation_lowered:
.L_overlay_start_0:
0x88: {  	s2 =	sld [smem:$0x3FD9]  }
0x89: {  	s3 =	sld [smem:$0x3FFE];
	_ =	sdelay $0x1  }
0x8a: {  	s1 =	srdreg.scid  }
0x8b: {  	s0 =	sand.u32 $0x1, s1  }
0x8c: {  	s16 =	sshll.u32 s0, $0xA;
	s2 =	sadd.s32 s3, s2  }
0x8d: {  	s2 =	sadd.s32 s2, s16  }
0x8e: {  	[smem:$0x3FB4] =	sst s2  }
0x8f: {  	_ = 	snop  }
0x90: {  	(tm) =	ssettm $0x1  }
0x91: {  	s17 =	sld [smem:$0x3FFB];
	_ =	sdelay $0x3  }
0x92: {  	_ =	strace s17  }
0x93: {  	s2 =	sld [smem:$0x3FFC];
	_ =	sdelay $0x3  }
0x94: {  	_ =	strace s2  }
0x95: {  	s2 =	sld [smem:$0x3FFD];
	_ =	sdelay $0x3  }
0x96: {  	_ =	strace s2  }
0x97: {  	_ =	strace $0x8FFFFFFF  }
0x98: {  	s18 =	sld [smem:$0x3FDB];
	_ =	sdelay $0x1  }
0x99: {  	s19 =	simm.s32 $_scs_section_size  }
0x9a: {  	s4 =	simm.s32 $_size__tile_overlayer_lowered;
	s5 =	simm.s32 $_tile_overlayer_lowered  }
0x9b: {  	s22 =	simm.s32 $0x1BFF;
	s21 =	sshll.u32 s5, $0x1;
	s2 =	sadd.s32 s19, s18  }
0x9c: {  	s6 =	simm.s32 $0x0;
	s20 =	sshll.u32 s4, $0x1;
	s4 =	sadd.s32 s21, s2  }
0x9d: {  	[timem:s6], [sflag:s22] =	dma.local [hbm:s4], s20  }
0x9e: {  	_ =	swait.ge [sflag:s22], s20  }
0x9f: {  	s3 =	ssub.s32 $0x0, s20;
	[sflag:s22] =	ssyncset.done $0x0  }
0xa0: {  	[sflag:s22] =	ssyncadd.s32 s3;
	_ =	sdelay $0x1  }
0xa1: {  	s23 =	simm.s32 $0x1B8B  }
0xa2: {  	_ =	swait.ge [sflag:s23], $0x1  }
0xa3: {  	[sflag:s23] =	ssyncset.done $0x0  }
0xa4: {  	s25 =	simm.s32 $0x1B8E;
	s24 =	sld [smem:$0x3FFE];
	[sflag:s23] =	ssyncadd.s32 $0xFFFFFFFF  }
0xa5: {  	s26 =	simm.s32 $execute0_lowered;
	[smem:$0x3FD2] =	sst s25  }
0xa6: {  	s4 =	sshll.u32 s26, $0x1;
	_ =	strace $0x80000046;
	[dreg:$0x1] =	wrdreg $0xFFFFFFFF  }
0xa7: {  	s28 =	simm.s32 $_size_execute0_lowered;
	s2 =	sadd.s32 s2, s4;
	[dreg:$0x0] =	wrdreg $0x0  }
0xa8: {  	s4 =	sshll.u32 s28, $0x1;
	[dreg:$0x2] =	wrdreg s2  }
0xa9: {  	[dreg:$0x3] =	wrdreg s4  }
0xaa: {  	[dreg:$0x4] =	wrdreg $0xC0  }
0xab: {  	_ =	task [dreg:s6], $0x5FFFF  }
0xac: {  	[dreg:$0x1] =	wrdreg $0xFFFFFFFF  }
0xad: {  	[dreg:$0x0] =	wrdreg $0x60  }
0xae: {  	[dreg:$0x2] =	wrdreg s24  }
0xaf: {  	[dreg:$0x3] =	wrdreg $0x96500  }
0xb0: {  	[dreg:$0x4] =	wrdreg $0x1D2500  }
0xb1: {  	[dreg:$0x5] =	wrdreg $0x9  }
0xb2: {  	_ =	task.clear_ibuf [dreg:s6], $0x6FFFF;
	_ =	strace $0x90000046  }
0xb3: {  	s29 =	simm.s32 $0x9;
	_ =	strace $0x80000048  }
0xb4: {  	_ =	swait.ge [sflag:s29], $0x1  }
0xb5: {  	[sflag:s29] =	ssyncadd.s32 $0xFFFFFFFF  }
0xb6: {  	_ =	strace $0x90000048  }
0xb7: {  	_ =	sfence  }
0xb8: {  	s30 =	sld [smem:$0x0];
	_ =	sdelay $0x2  }
0xb9: {  	s31 =	sshll.u32 s1, $0xD;
	s1 =	sshrl.u32 s1, $0x2  }
0xba: {  	s3 =	sand.u32 $0x4000, s31;
	s1 =	sadd.s32 s1, s30  }
0xbb: {  	s0 =	sor.u32 s3, s0;
	s1 =	sshll.u32 s1, $0x11  }
0xbc: {  	s0 =	sor.u32 s1, s0  }
0xbd: {  	s0 =	sadd.s32 $0x8F2B, s0  }
0xbe: {  	[sflag:s0] =	ssyncadd.remote.s32 $0x1  }
0xbf: {  	_ =	sfence.sel $0xFFFF  }
0xc0: {  	[dreg:$0x0] =	wrdreg $0xFFFFFFFF;
	(pc) =	sbr.abs _section_cstart, $3  }
0xc1: {  	[dreg:$0x1] =	wrdreg $0xFFFFFFFF  }
0xc2: {  	_ =	task.clear_ibuf [dreg:s6], $0x2FFFF;
	_ =	strace $0x9FFFFFFF  }
0xc3: {  	(tm) =	ssettm $0x7FFFFFFF  }
tec
execute0_lowered:
.L_overlay_start_1:
0x0: {  	(tag) =	ssettag $0x1  }
0x1: {  	s10 =	rddreg [dreg:$0x0]  }
0x2: {  	s2 =	rddreg [dreg:$0x1]  }
0x3: {  	s0 =	srdreg.scid;
	s3 =	rddreg [dreg:$0x2];
	s4 =	simm.s32 $0x0  }
0x4: {  	s19 =	simm.s32 $0x8E80;
	s9 =	sand.u32 $0x1, s0;
	s0 =	stileid.u32  }
0x5: {  	s20 =	simm.s32 $0x7D;
	s21 =	simm.s32 $0x5000;
	s6 =	smul.u32 $0x278, s0  }
0x6: {  	s22 =	simm.s32 $0x1;
	s23 =	simm.s32 $0x0;
	s7 =	smul.u32 $0x2780, s9  }
0x7: {  	[smem:$0x7FF] =	sst s4;
	s8 =	sadd.s32 $0x41C00, s10;
	s14 =	smul.u32 $0x4F000, s0  }
0x8: {  	s1 =	sshll.u32 s9, $0x4;
	s9 =	ssub.s32 $0x2, s9;
	s28 =	smul.u32 $0x9E00, s0  }
0x9: {  	s30 =	sshll.u32 s0, $0x6;
	s1 =	sor.u32 s0, s1;
	s26 =	sshrl.u32 s9, $0x1  }
0xa: {  	s5 =	smul.u32 $0x500, s1;
	s1 =	rddreg [dreg:$0x3];
	_ =	strace $0x80000047  }
0xb: {  	s12 =	sadd.s32 s6, s7;
	s6 =	sadd.s32 $0x3F400, s10;
	s7 =	sadd.s32 $0x3EE00, s10  }
0xc: {  	s16 =	ssub.s32 s9, s26;
	s29 =	sshrl.u32 s14, $0x2;
	s9 =	sor.u32 $0x1C02, s30  }
0xd: {  	s31 =	sshrl.u32 s28, $0x2;
	s13 =	sshll.u32 s12, $0x4;
	s12 =	sshll.u32 s12, $0x1  }
0xe: {  	s17 =	sadd.s32 s29, s2;
	s18 =	sadd.s32 s31, s3;
	s14 =	smax.u32 s16, $0x1  }
0xf: {  	s16 =	simm.s32 $0x2;
	s11 =	sadd.s32 s5, s10;
	s5 =	sadd.s32 $0x17600, s10  }
0x10: {  	s13 =	sadd.s32 s13, s10;
	s15 =	sadd.s32 s12, s10;
	s10 =	sadd.s32 $0xD600, s11  }
0x11: {  	s11 =	sadd.s32 $0x3600, s11;
	s12 =	sadd.s32 $0x4BC00, s13;
	s13 =	sadd.s32 $0x41E00, s15  }
0x12: {  	s15 =	sshrl.u32 s17, $0x3;
	s17 =	sshrl.u32 s18, $0x3;
	s18 =	simm.s32 $0x2800  }
.LBB2_1:
0x13: {  	[spmem:s15], [sflag:s9] =	dma.local [hbm:s6], $0x2780  }
0x14: {  	_ =	swait.ge [sflag:s16], $0x2780  }
0x15: {  	[sflag:s16] =	ssyncset.done $0x0  }
0x16: {  	[sflag:s16] =	ssyncadd.s32 $0xFFFFD880  }
0x17: {  	[spmem:s17], [sflag:s9] =	dma.local [hbm:s7], $0x4F0  }
0x18: {  	_ =	swait.ge [sflag:s16], $0x4F0  }
0x19: {  	[sflag:s16] =	ssyncset.done $0x0  }
0x1a: {  	[sflag:s16] =	ssyncadd.s32 $0xFFFFFB10  }
0x1b: {  	[tilespmem:s4], [sflag:$0x2] =	stream.linear.gather [hbm4b:s10+s4], $0x2800, $0x38;
	[tilespmem:$0x1F9D0] =	vst v63  }
0x1c: {  	_ =	swait.ge [sflag:s16], $0x2800  }
0x1d: {  	[sflag:s16] =	ssyncset.done $0x0  }
0x1e: {  	[sflag:s16] =	ssyncadd.s32 $0xFFFFD800  }
0x1f: {  	[tilespmem:s18], [sflag:$0x2] =	stream.linear.gather [hbm4b:s11+s4], $0x2800, $0x38;
	[tilespmem:$0x1F9D0] =	vst v63  }
0x20: {  	_ =	swait.ge [sflag:s16], $0x2800  }
0x21: {  	[sflag:s16] =	ssyncset.done $0x0  }
0x22: {  	[sflag:s16] =	ssyncadd.s32 $0xFFFFD800  }
0x23: {  	[tilespmem:s19], [sflag:$0x2] =	stream.linear.gather [hbm4b:s8+s4], $0x7D0, $0x38;
	[tilespmem:$0x1F9D0] =	vst v63  }
0x24: {  	_ =	swait.ge [sflag:s16], $0x7D0  }
0x25: {  	[sflag:s16] =	ssyncset.done $0x0  }
0x26: {  	[sflag:s16] =	ssyncadd.s32 $0xFFFFF830  }
0x27: {  	s24 =	simm.s32 $0x0;
	[bflag:$0x0] =	sbarrier.arrive $0xFFFF  }
0x28: {  	[tilespmem:s21], [sflag:$0x1] =	stream.indirect.gather [hbm4b:s5+s20], $0x80, s24, s20, $0xb8;
	[tilespmem:$0x1F9D0] =	vst v63  }
0x29: {  	_ =	swait.ge [sflag:s22], $0x3E80  }
0x2a: {  	[sflag:s22] =	ssyncset.done $0x0  }
0x2b: {  	s31 =	simm.s32 $0x2800;
	[sflag:s22] =	ssyncadd.s32 $0xFFFFC180  }
0x2c: {  	[spmem:s2] =	stream.indirect.scatter.add.f32 [tilespmem:s21], [sflag:$0x2], $0x80, s31, s20, $0xb8;
	[tilespmem:$0x1F9D0] =	vst v63  }
0x2d: {  	_ =	swait.ge [sflag:s16], $0x3E80  }
0x2e: {  	[sflag:s16] =	ssyncset.done $0x0  }
0x2f: {  	[sflag:s16] =	ssyncadd.s32 $0xFFFFC180  }
0x30: {  	[spmem:s3] =	stream.indirect.scatter.add.f32 [tilespmem:s19], [sflag:$0x2], $0x10, s31, s20, $0xb8;
	[tilespmem:$0x1F9D0] =	vst v63  }
0x31: {  	_ =	swait.ge [sflag:s16], $0x7D0  }
0x32: {  	s25 =	simm.s32 $0x400;
	s24 =	simm.s32 $0x200;
	[sflag:s16] =	ssyncset.done $0x0  }
.LBB2_2:
0x33: {  	s26 =	sshra.s32 s24, $0x2  }
0x34: {  	[sflag:s16] =	ssyncadd.s32 $0xFFFFF830;
	s24 =	smov.u32 s25;
	s28 =	sadd.s32 $0x200, s25  }
0x35: {  	[tilespmem:s21], [sflag:$0x1] =	stream.indirect.gather [hbm4b:s5+s20], $0x80, s26, s20, $0xb8;
	[tilespmem:$0x1F9D0] =	vst v63  }
0x36: {  	p0 =	sne.s32 s25, $0x9E00;
	_ =	swait.ge [sflag:s22], $0x3E80  }
0x37: {  	[sflag:s22] =	ssyncset.done $0x0  }
0x38: {  	s25 =	sadd.s32 $0x2800, s26;
	[sflag:s22] =	ssyncadd.s32 $0xFFFFC180  }
0x39: {  	[spmem:s2] =	stream.indirect.scatter.add.f32 [tilespmem:s21], [sflag:$0x2], $0x80, s25, s20, $0xb8;
	[tilespmem:$0x1F9D0] =	vst v63  }
0x3a: {  	_ =	swait.ge [sflag:s16], $0x3E80  }
.Ltmp0:
0x3b: {  	[sflag:s16] =	ssyncset.done $0x0;
	(pc) =	sbr.rel @p0 .LBB2_2-.Ltmp0, $4  }
0x3c: {  	[sflag:s16] =	ssyncadd.s32 $0xFFFFC180  }
0x3d: {  	[spmem:s3] =	stream.indirect.scatter.add.f32 [tilespmem:s19], [sflag:$0x2], $0x10, s25, s20, $0xb8;
	[tilespmem:$0x1F9D0] =	vst v63  }
0x3e: {  	_ =	swait.ge [sflag:s16], $0x7D0  }
0x3f: {  	s25 =	smov.u32 s28;
	[sflag:s16] =	ssyncset.done $0x0  }
0x40: {  	s24 =	sshra.s32 s24, $0x2;
	[sflag:s16] =	ssyncadd.s32 $0xFFFFF830  }
0x41: {  	[tilespmem:s21], [sflag:$0x1] =	stream.indirect.gather [hbm4b:s5+s20], $0x80, s24, s20, $0xb8;
	[tilespmem:$0x1F9D0] =	vst v63  }
0x42: {  	_ =	swait.ge [sflag:s22], $0x3E80  }
0x43: {  	[sflag:s22] =	ssyncset.done $0x0  }
0x44: {  	s24 =	sadd.s32 $0x2800, s24;
	[sflag:s22] =	ssyncadd.s32 $0xFFFFC180  }
0x45: {  	[spmem:s2] =	stream.indirect.scatter.add.f32 [tilespmem:s21], [sflag:$0x2], $0x80, s24, s20, $0xb8;
	[tilespmem:$0x1F9D0] =	vst v63  }
0x46: {  	_ =	swait.ge [sflag:s16], $0x3E80  }
0x47: {  	[sflag:s16] =	ssyncset.done $0x0  }
0x48: {  	[sflag:s16] =	ssyncadd.s32 $0xFFFFC180  }
0x49: {  	[spmem:s3] =	stream.indirect.scatter.add.f32 [tilespmem:s19], [sflag:$0x2], $0x10, s24, s20, $0xb8;
	[tilespmem:$0x1F9D0] =	vst v63  }
0x4a: {  	_ =	swait.ge [sflag:s16], $0x7D0  }
0x4b: {  	[sflag:s16] =	ssyncset.done $0x0  }
0x4c: {  	[sflag:s16] =	ssyncadd.s32 $0xFFFFF830  }
0x4d: {  	[bflag:$0x0] =	sbarrier.arrive $0xFFFF  }
0x4e: {  	[hbm:s12], [sflag:s9] =	dma.local [spmem:s15], $0x2780  }
0x4f: {  	s23 =	sadd.s32 $0x1, s23;
	_ =	swait.ge [sflag:s16], $0x2780  }
0x50: {  	p0 =	sne.s32 s23, s14;
	[sflag:s16] =	ssyncset.done $0x0  }
.Ltmp1:
0x51: {  	[sflag:s16] =	ssyncadd.s32 $0xFFFFD880;
	(pc) =	sbr.rel @p0 .LBB2_1-.Ltmp1, $4  }
0x52: {  	[hbm:s13], [sflag:s9] =	dma.local [spmem:s17], $0x4F0  }
0x53: {  	_ =	swait.ge [sflag:s16], $0x4F0  }
0x54: {  	[sflag:s16] =	ssyncset.done $0x0  }
0x55: {  	[sflag:s16] =	ssyncadd.s32 $0xFFFFFB10  }
0x56: {  	_ =	sfence.sel $0x180000  }
0x57: {  	[bflag:$0x0] =	sbarrier.arrive $0xFFFF  }
0x58: {  	p0 =	sne.s32 s0, $0x0;
	_ =	strace $0x90000047  }
0x59: {  	s0 =	sadd.s32 @!p0 $0x100000, s1;
	[bflag:$0x2] =	sbarrier.arrive $0xFFFF  }
0x5a: {  	[sflag:s0] =	ssyncadd.tile.s32 @!p0 $0x1;
	_ =	shalt  }
.Lfunc_end2:
_tile_overlayer_lowered:
.L_overlay_start_2:
0x5b: {  	(tag) =	ssettag $0x2  }
0x5c: {  	s0 =	rddreg [dreg:$0x0];
	s2 =	stileid.u32  }
0x5d: {  	s1 =	rddreg [dreg:$0x1];
	p0 =	sne.s32 s2, $0x0  }
0x5e: {  	s3 =	rddreg [dreg:$0x2];
	[bflag:$0x3] =	sbarrier.arrive $0xFFFF;
	s2 =	simm.s32 @!p0 $0x1C02  }
0x5f: {  	[timem:s3], [sflag:s2] =	dma.local @!p0 [hbm:s0], s1  }
0x60: {  	s0 =	simm.s32 @!p0 $0x2  }
0x61: {  	_ =	swait.ge @!p0 [sflag:s0], s1  }
0x62: {  	s1 =	ssub.s32 @!p0 $0x0, s1;
	[sflag:s0] =	ssyncset.done @!p0 $0x0  }
0x63: {  	[sflag:s0] =	ssyncadd.s32 @!p0 s1  }
0x64: {  	[bflag:$0x3] =	sbarrier.arrive $0xFFFF  }
0x65: {  	_ =	shalt  }

// kernel: kernel.9.cloned.1.call-start
scs
__scs_entry_jumppad:
0x0: {  	(pc) =	sbr.rel $0x88, $3  }
0x1: {  	(tag) =	ssettag $0x0;
	lr =	simm.s32 $0x1  }
0x2: {  	[smem:$0x3F8D] =	sst lr;
	_ =	strace $0xD0000000  }
0x3: {  	_ = 	snop  }
0x4: {  	_ = 	snop  }
0x5: {  	_ = 	snop  }
0x6: {  	_ = 	snop  }
0x7: {  	_ = 	snop  }
__scs_overlays_trampoline_lowered:
0x8: {  	[smem:$0x3F9C] =	sst s0  }
0x9: {  	[smem:$0x3F9D] =	sst s1  }
0xa: {  	[smem:$0x3F9E] =	sst s2  }
0xb: {  	[smem:$0x3F9F] =	sst s3  }
0xc: {  	[smem:$0x3FA0] =	sst s4  }
0xd: {  	[smem:$0x3FA1] =	sst s5  }
0xe: {  	[smem:$0x3FA2] =	sst s6  }
0xf: {  	[smem:$0x3FA3] =	sst s7  }
0x10: {  	[smem:$0x3FA4] =	sst s8  }
0x11: {  	[smem:$0x3FA5] =	sst s9;
	s0 =	simm.s32 @!p0 $0x0  }
0x12: {  	s1 =	sld [smem:$0x3F8B];
	s0 =	simm.s32 @p0 $0x1  }
0x13: {  	[smem:$0x3FA6] =	sst s0;
	s0 =	simm.s32 @!p1 $0x0  }
0x14: {  	s2 =	sld [smem:$0x3F8A];
	s0 =	simm.s32 @p1 $0x1  }
0x15: {  	[smem:$0x3FA7] =	sst s0;
	s0 =	simm.s32 @!p2 $0x0  }
0x16: {  	s3 =	sld [smem:$0x3FDB];
	s0 =	simm.s32 @p2 $0x1  }
0x17: {  	s4 =	simm.s32 $0x1BF5;
	[smem:$0x3FA9] =	sst s0  }
0x18: {  	s0 =	sld [smem:$0x3F8C];
	_ =	swait.ge [sflag:s4], $0x0  }
0x19: {  	s7 =	sld [smem:$0x3F8D]  }
0x1a: {  	s8 =	sadd.s32 $0xFFFFE003, lr  }
0x1b: {  	s9 =	sadd.s32 $0xFFFFFEF7, lr;
	s5 =	simm.s32 $0xFFFFFFFF;
	p2 =	slt.u32 s8, $0xFFFFF086  }
0x1c: {  	p1 =	slt.u32 s9, $0xF7A;
	s5 =	simm.s32 @!p2 $0x0  }
0x1d: {  	s5 =	simm.s32 @p1 $0x1;
	p0 =	seq.s32 s7, s2  }
0x1e: {  	s7 =	smul.u32 @!p0 $0xF7A, s2;
	p2 =	seq.s32 @!p0 s5, $0x0  }
0x1f: {  	s9 =	smul.u32 $0xF7A, s1;
	s8 =	simm.s32 @!p0 $0x1BF5;
	p2 =	por !p2, p0  }
0x20: {  	[sflag:s8] =	ssyncset.s32 @!p0 $0xFFFFF086;
	s6 =	sadd.s32 @!p0 s3, s7;
	s7 =	simm.s32 @!p0 $0x108  }
0x21: {  	s3 =	sadd.s32 s3, s9;
	s6 =	sadd.s32 @!p0 $0x88, s6;
	s7 =	simm.s32 @p2 $0x1082  }
0x22: {  	[simem:s7], [sflag:s8] =	dma.local @!p0 [hbm:s6], $0xF7A  }
0x23: {  	s9 =	sor.u32 $0xD0000000, s2;
	s6 =	simm.s32 $0x108;
	_ =	swait.ge @!p0 [sflag:s8], $0x0  }
0x24: {  	s3 =	sadd.s32 $0x88, s3;
	s6 =	simm.s32 @!p1 $0x1082;
	[sflag:s4] =	ssyncset.s32 $0xFFFFF086  }
0x25: {  	[simem:s6], [sflag:s4] =	dma.local [hbm:s3], $0xF7A  }
0x26: {  	[smem:$0x3F8D] =	sst s1;
	(tag) =	ssettag s2;
	_ =	strace s9  }
0x27: {  	s1 =	sld [smem:$0x3F9D]  }
0x28: {  	s2 =	sld [smem:$0x3F9E]  }
0x29: {  	s4 =	sld [smem:$0x3FA0]  }
0x2a: {  	p0 =	seq.s32 s5, $0x0;
	s5 =	sld [smem:$0x3FA1]  }
0x2b: {  	s6 =	sld [smem:$0x3FA2]  }
0x2c: {  	s7 =	sld [smem:$0x3FA3]  }
0x2d: {  	s3 =	simm.s32 $0x108;
	s8 =	sld [smem:$0x3FA4]  }
0x2e: {  	s3 =	simm.s32 @!p0 $0x1082;
	s9 =	sld [smem:$0x3FA5]  }
0x2f: {  	lr =	sadd.s32 s0, s3;
	s0 =	sld [smem:$0x3F9C]  }
0x30: {  	s3 =	sld [smem:$0x3F9F]  }
0x31: {  	[smem:$0x3FA8] =	sst s10  }
0x32: {  	s10 =	sld [smem:$0x3FA6];
	_ =	sdelay $0x3  }
0x33: {  	p0 =	seq.s32 s10, $0x1;
	s10 =	sld [smem:$0x3FA8];
	_ =	sdelay $0x3  }
0x34: {  	[smem:$0x3FA8] =	sst s10  }
0x35: {  	s10 =	sld [smem:$0x3FA7];
	_ =	sdelay $0x3  }
0x36: {  	p1 =	seq.s32 s10, $0x1;
	s10 =	sld [smem:$0x3FA8];
	_ =	sdelay $0x3  }
0x37: {  	[smem:$0x3FA8] =	sst s10  }
0x38: {  	s10 =	sld [smem:$0x3FA9]  }
0x39: {  	_ = 	snop;
	(pc) =	sbr.ind lr, $3  }
0x3a: {  	_ = 	snop  }
0x3b: {  	_ = 	snop  }
0x3c: {  	p2 =	seq.s32 s10, $0x1;
	s10 =	sld [smem:$0x3FA8]  }
0x3d: {  	_ =	shalt  }
0x3e: {  	_ =	shalt  }
0x3f: {  	_ =	shalt  }
0x40: {  	_ =	shalt  }
0x41: {  	_ =	shalt  }
0x42: {  	_ =	shalt  }
0x43: {  	_ =	shalt  }
0x44: {  	_ =	shalt  }
0x45: {  	_ =	shalt  }
0x46: {  	_ =	shalt  }
0x47: {  	_ =	shalt  }
0x48: {  	_ =	shalt  }
0x49: {  	_ =	shalt  }
0x4a: {  	_ =	shalt  }
0x4b: {  	_ =	shalt  }
0x4c: {  	_ =	shalt  }
0x4d: {  	_ =	shalt  }
0x4e: {  	_ =	shalt  }
0x4f: {  	_ =	shalt  }
0x50: {  	_ =	shalt  }
0x51: {  	_ =	shalt  }
0x52: {  	_ =	shalt  }
0x53: {  	_ =	shalt  }
0x54: {  	_ =	shalt  }
0x55: {  	_ =	shalt  }
0x56: {  	_ =	shalt  }
0x57: {  	_ =	shalt  }
0x58: {  	_ =	shalt  }
0x59: {  	_ =	shalt  }
0x5a: {  	_ =	shalt  }
0x5b: {  	_ =	shalt  }
0x5c: {  	_ =	shalt  }
0x5d: {  	_ =	shalt  }
0x5e: {  	_ =	shalt  }
0x5f: {  	_ =	shalt  }
0x60: {  	_ =	shalt  }
0x61: {  	_ =	shalt  }
0x62: {  	_ =	shalt  }
0x63: {  	_ =	shalt  }
0x64: {  	_ =	shalt  }
0x65: {  	_ =	shalt  }
0x66: {  	_ =	shalt  }
0x67: {  	_ =	shalt  }
0x68: {  	_ =	shalt  }
0x69: {  	_ =	shalt  }
0x6a: {  	_ =	shalt  }
0x6b: {  	_ =	shalt  }
0x6c: {  	_ =	shalt  }
0x6d: {  	_ =	shalt  }
0x6e: {  	_ =	shalt  }
0x6f: {  	_ =	shalt  }
0x70: {  	_ =	shalt  }
0x71: {  	_ =	shalt  }
0x72: {  	_ =	shalt  }
0x73: {  	_ =	shalt  }
0x74: {  	_ =	shalt  }
0x75: {  	_ =	shalt  }
0x76: {  	_ =	shalt  }
0x77: {  	_ =	shalt  }
0x78: {  	_ =	shalt  }
0x79: {  	_ =	shalt  }
0x7a: {  	_ =	shalt  }
0x7b: {  	_ =	shalt  }
0x7c: {  	_ =	shalt  }
0x7d: {  	_ =	shalt  }
0x7e: {  	_ =	shalt  }
0x7f: {  	_ =	shalt  }
0x80: {  	_ =	shalt  }
0x81: {  	_ =	shalt  }
0x82: {  	_ =	shalt  }
0x83: {  	_ =	shalt  }
0x84: {  	_ =	shalt  }
0x85: {  	_ =	shalt  }
0x86: {  	_ =	shalt  }
0x87: {  	_ =	shalt  }
.Lfunc_end0:
.L_simem_size_0:
called_computation.1_lowered:
.L_overlay_start_0:
0x88: {  	s2 =	sld [smem:$0x3FD9]  }
0x89: {  	s3 =	sld [smem:$0x3FFE];
	_ =	sdelay $0x1  }
0x8a: {  	s1 =	srdreg.scid  }
0x8b: {  	s0 =	sand.u32 $0x1, s1  }
0x8c: {  	s16 =	sshll.u32 s0, $0xA;
	s2 =	sadd.s32 s3, s2  }
0x8d: {  	s2 =	sadd.s32 s2, s16  }
0x8e: {  	[smem:$0x3FB4] =	sst s2  }
0x8f: {  	_ = 	snop  }
0x90: {  	(tm) =	ssettm $0x1  }
0x91: {  	s17 =	sld [smem:$0x3FFB];
	_ =	sdelay $0x3  }
0x92: {  	_ =	strace s17  }
0x93: {  	s2 =	sld [smem:$0x3FFC];
	_ =	sdelay $0x3  }
0x94: {  	_ =	strace s2  }
0x95: {  	s2 =	sld [smem:$0x3FFD];
	_ =	sdelay $0x3  }
0x96: {  	_ =	strace s2  }
0x97: {  	_ =	strace $0x8FFFFFFF  }
0x98: {  	s18 =	sld [smem:$0x3FDB];
	_ =	sdelay $0x1  }
0x99: {  	s19 =	simm.s32 $_scs_section_size  }
0x9a: {  	s4 =	simm.s32 $_size__tile_overlayer_lowered;
	s5 =	simm.s32 $_tile_overlayer_lowered  }
0x9b: {  	s22 =	simm.s32 $0x1BFF;
	s21 =	sshll.u32 s5, $0x1;
	s2 =	sadd.s32 s19, s18  }
0x9c: {  	s6 =	simm.s32 $0x0;
	s20 =	sshll.u32 s4, $0x1;
	s4 =	sadd.s32 s21, s2  }
0x9d: {  	[timem:s6], [sflag:s22] =	dma.local [hbm:s4], s20  }
0x9e: {  	_ =	swait.ge [sflag:s22], s20  }
0x9f: {  	s3 =	ssub.s32 $0x0, s20;
	[sflag:s22] =	ssyncset.done $0x0  }
0xa0: {  	[sflag:s22] =	ssyncadd.s32 s3;
	_ =	sdelay $0x1  }
0xa1: {  	s23 =	simm.s32 $0x1B8B  }
0xa2: {  	_ =	swait.ge [sflag:s23], $0x1  }
0xa3: {  	[sflag:s23] =	ssyncset.done $0x0  }
0xa4: {  	s25 =	simm.s32 $0x1B8E;
	s24 =	sld [smem:$0x3FFE];
	[sflag:s23] =	ssyncadd.s32 $0xFFFFFFFF  }
0xa5: {  	s26 =	simm.s32 $execute0_lowered;
	[smem:$0x3FD2] =	sst s25  }
0xa6: {  	s4 =	sshll.u32 s26, $0x1;
	_ =	strace $0x80000049;
	[dreg:$0x1] =	wrdreg $0xFFFFFFFF  }
0xa7: {  	s28 =	simm.s32 $_size_execute0_lowered;
	s2 =	sadd.s32 s2, s4;
	[dreg:$0x0] =	wrdreg $0x0  }
0xa8: {  	s4 =	sshll.u32 s28, $0x1;
	[dreg:$0x2] =	wrdreg s2  }
0xa9: {  	[dreg:$0x3] =	wrdreg s4  }
0xaa: {  	[dreg:$0x4] =	wrdreg $0xC0  }
0xab: {  	_ =	task [dreg:s6], $0x5FFFF  }
0xac: {  	[dreg:$0x1] =	wrdreg $0xFFFFFFFF  }
0xad: {  	[dreg:$0x0] =	wrdreg $0x60  }
0xae: {  	[dreg:$0x2] =	wrdreg s24  }
0xaf: {  	[dreg:$0x3] =	wrdreg $0x57D00  }
0xb0: {  	[dreg:$0x4] =	wrdreg $0x7F500  }
0xb1: {  	[dreg:$0x5] =	wrdreg $0x9  }
0xb2: {  	_ =	task.clear_ibuf [dreg:s6], $0x6FFFF;
	_ =	strace $0x90000049  }
0xb3: {  	s29 =	simm.s32 $0x9;
	_ =	strace $0x8000004B  }
0xb4: {  	_ =	swait.ge [sflag:s29], $0x1  }
0xb5: {  	[sflag:s29] =	ssyncadd.s32 $0xFFFFFFFF  }
0xb6: {  	_ =	strace $0x9000004B  }
0xb7: {  	_ =	sfence  }
0xb8: {  	s30 =	sld [smem:$0x0];
	_ =	sdelay $0x2  }
0xb9: {  	s31 =	sshll.u32 s1, $0xD;
	s1 =	sshrl.u32 s1, $0x2  }
0xba: {  	s3 =	sand.u32 $0x4000, s31;
	s1 =	sadd.s32 s1, s30  }
0xbb: {  	s0 =	sor.u32 s3, s0;
	s1 =	sshll.u32 s1, $0x11  }
0xbc: {  	s0 =	sor.u32 s1, s0  }
0xbd: {  	s0 =	sadd.s32 $0x8F2B, s0  }
0xbe: {  	[sflag:s0] =	ssyncadd.remote.s32 $0x1  }
0xbf: {  	_ =	sfence.sel $0xFFFF  }
0xc0: {  	[dreg:$0x0] =	wrdreg $0xFFFFFFFF;
	(pc) =	sbr.abs _section_cstart, $3  }
0xc1: {  	[dreg:$0x1] =	wrdreg $0xFFFFFFFF  }
0xc2: {  	_ =	task.clear_ibuf [dreg:s6], $0x2FFFF;
	_ =	strace $0x9FFFFFFF  }
0xc3: {  	(tm) =	ssettm $0x7FFFFFFF  }
tec
execute0_lowered:
.L_overlay_start_1:
0x0: {  	(tag) =	ssettag $0x1  }
0x1: {  	s6 =	rddreg [dreg:$0x0]  }
0x2: {  	s0 =	srdreg.scid;
	s2 =	rddreg [dreg:$0x1]  }
0x3: {  	s3 =	rddreg [dreg:$0x2];
	s4 =	simm.s32 $0x0;
	s16 =	simm.s32 $0x7D  }
0x4: {  	s17 =	simm.s32 $0x5000;
	s5 =	sand.u32 $0x1, s0;
	s0 =	stileid.u32  }
0x5: {  	s18 =	simm.s32 $0x1;
	s19 =	simm.s32 $0x0;
	s8 =	smul.u32 $0x2780, s0  }
0x6: {  	[smem:$0x7FF] =	sst s4;
	s1 =	sshll.u32 s5, $0x4;
	s9 =	smul.u32 $0x4F0, s0  }
0x7: {  	s10 =	smul.u32 $0x4F00, s5;
	s29 =	ssub.s32 $0x2, s5;
	s5 =	sadd.s32 $0x3EE00, s6  }
0x8: {  	s31 =	sshll.u32 s0, $0x6;
	s1 =	sor.u32 s0, s1;
	s30 =	sshrl.u32 s29, $0x1  }
0x9: {  	s7 =	smul.u32 $0x500, s1;
	s1 =	rddreg [dreg:$0x3];
	_ =	strace $0x8000004A  }
0xa: {  	s28 =	sshrl.u32 s8, $0x3;
	s9 =	sadd.s32 s9, s10;
	s13 =	ssub.s32 s29, s30  }
0xb: {  	s14 =	sadd.s32 s8, s2;
	s15 =	sadd.s32 s8, s3;
	s12 =	sadd.s32 s9, s6  }
0xc: {  	s11 =	sadd.s32 s7, s6;
	s7 =	sadd.s32 s28, s6;
	s10 =	sadd.s32 $0x1C600, s12  }
0xd: {  	s12 =	sshrl.u32 s14, $0x3;
	s14 =	sshrl.u32 s15, $0x3;
	s15 =	simm.s32 $0x2800  }
0xe: {  	s6 =	sadd.s32 $0x17600, s7;
	s7 =	sor.u32 $0x1C02, s31;
	s8 =	sadd.s32 $0xD600, s11  }
0xf: {  	s9 =	sadd.s32 $0x3600, s11;
	s11 =	smax.u32 s13, $0x1;
	s13 =	simm.s32 $0x2  }
.LBB2_1:
0x10: {  	[spmem:s12], [sflag:s7] =	dma.local [hbm:s6], $0x4F0  }
0x11: {  	_ =	swait.ge [sflag:s13], $0x4F0  }
0x12: {  	[sflag:s13] =	ssyncset.done $0x0  }
0x13: {  	[sflag:s13] =	ssyncadd.s32 $0xFFFFFB10  }
0x14: {  	[spmem:s14], [sflag:s7] =	dma.local [hbm:s5], $0x4F0  }
0x15: {  	_ =	swait.ge [sflag:s13], $0x4F0  }
0x16: {  	[sflag:s13] =	ssyncset.done $0x0  }
0x17: {  	[sflag:s13] =	ssyncadd.s32 $0xFFFFFB10  }
0x18: {  	[tilespmem:s4], [sflag:$0x2] =	stream.linear.gather [hbm4b:s8+s4], $0x2800, $0x38;
	[tilespmem:$0xA6D0] =	vst v63  }
0x19: {  	_ =	swait.ge [sflag:s13], $0x2800  }
0x1a: {  	[sflag:s13] =	ssyncset.done $0x0  }
0x1b: {  	[sflag:s13] =	ssyncadd.s32 $0xFFFFD800  }
0x1c: {  	[tilespmem:s15], [sflag:$0x2] =	stream.linear.gather [hbm4b:s9+s4], $0x2800, $0x38;
	[tilespmem:$0xA6D0] =	vst v63  }
0x1d: {  	_ =	swait.ge [sflag:s13], $0x2800  }
0x1e: {  	[sflag:s13] =	ssyncset.done $0x0  }
0x1f: {  	[sflag:s13] =	ssyncadd.s32 $0xFFFFD800  }
0x20: {  	s20 =	simm.s32 $0x0;
	[bflag:$0x0] =	sbarrier.arrive $0xFFFF  }
0x21: {  	[tilespmem:s17], [sflag:$0x1] =	stream.indirect.gather [spmem:s2], $0x10, s20, s16, $0xb8;
	[tilespmem:$0xA6D0] =	vst v63  }
0x22: {  	_ =	swait.ge [sflag:s18], $0x7D0  }
0x23: {  	[sflag:s18] =	ssyncset.done $0x0  }
0x24: {  	s31 =	simm.s32 $0x2800;
	[sflag:s18] =	ssyncadd.s32 $0xFFFFF830  }
0x25: {  	[spmem:s3] =	stream.indirect.scatter.add.f32 [tilespmem:s17], [sflag:$0x2], $0x10, s31, s16, $0xb8;
	[tilespmem:$0xA6D0] =	vst v63  }
0x26: {  	_ =	swait.ge [sflag:s13], $0x7D0  }
0x27: {  	s21 =	simm.s32 $0x400;
	s20 =	simm.s32 $0x200;
	[sflag:s13] =	ssyncset.done $0x0  }
.LBB2_2:
0x28: {  	s22 =	sshra.s32 s20, $0x2  }
0x29: {  	[sflag:s13] =	ssyncadd.s32 $0xFFFFF830;
	s20 =	smov.u32 s21;
	s23 =	sadd.s32 $0x200, s21  }
0x2a: {  	[tilespmem:s17], [sflag:$0x1] =	stream.indirect.gather [spmem:s2], $0x10, s22, s16, $0xb8;
	[tilespmem:$0xA6D0] =	vst v63  }
0x2b: {  	p0 =	sne.s32 s21, $0x9E00;
	_ =	swait.ge [sflag:s18], $0x7D0  }
.Ltmp0:
0x2c: {  	[sflag:s18] =	ssyncset.done $0x0;
	(pc) =	sbr.rel @p0 .LBB2_2-.Ltmp0, $4  }
0x2d: {  	s21 =	sadd.s32 $0x2800, s22;
	[sflag:s18] =	ssyncadd.s32 $0xFFFFF830  }
0x2e: {  	[spmem:s3] =	stream.indirect.scatter.add.f32 [tilespmem:s17], [sflag:$0x2], $0x10, s21, s16, $0xb8;
	[tilespmem:$0xA6D0] =	vst v63  }
0x2f: {  	_ =	swait.ge [sflag:s13], $0x7D0  }
0x30: {  	s21 =	smov.u32 s23;
	[sflag:s13] =	ssyncset.done $0x0  }
0x31: {  	s20 =	sshra.s32 s20, $0x2;
	[sflag:s13] =	ssyncadd.s32 $0xFFFFF830  }
0x32: {  	[tilespmem:s17], [sflag:$0x1] =	stream.indirect.gather [spmem:s2], $0x10, s20, s16, $0xb8;
	[tilespmem:$0xA6D0] =	vst v63  }
0x33: {  	_ =	swait.ge [sflag:s18], $0x7D0  }
0x34: {  	[sflag:s18] =	ssyncset.done $0x0  }
0x35: {  	s20 =	sadd.s32 $0x2800, s20;
	[sflag:s18] =	ssyncadd.s32 $0xFFFFF830  }
0x36: {  	[spmem:s3] =	stream.indirect.scatter.add.f32 [tilespmem:s17], [sflag:$0x2], $0x10, s20, s16, $0xb8;
	[tilespmem:$0xA6D0] =	vst v63  }
0x37: {  	_ =	swait.ge [sflag:s13], $0x7D0  }
0x38: {  	s19 =	sadd.s32 $0x1, s19;
	[sflag:s13] =	ssyncset.done $0x0  }
0x39: {  	p0 =	sne.s32 s19, s11;
	[sflag:s13] =	ssyncadd.s32 $0xFFFFF830  }
.Ltmp1:
0x3a: {  	[bflag:$0x0] =	sbarrier.arrive $0xFFFF;
	(pc) =	sbr.rel @p0 .LBB2_1-.Ltmp1, $4  }
0x3b: {  	[hbm:s10], [sflag:s7] =	dma.local [spmem:s14], $0x4F0  }
0x3c: {  	_ =	swait.ge [sflag:s13], $0x4F0  }
0x3d: {  	[sflag:s13] =	ssyncset.done $0x0  }
0x3e: {  	[sflag:s13] =	ssyncadd.s32 $0xFFFFFB10  }
0x3f: {  	_ =	sfence.sel $0x180000  }
0x40: {  	[bflag:$0x0] =	sbarrier.arrive $0xFFFF  }
0x41: {  	p0 =	sne.s32 s0, $0x0;
	_ =	strace $0x9000004A  }
0x42: {  	s0 =	sadd.s32 @!p0 $0x100000, s1;
	[bflag:$0x2] =	sbarrier.arrive $0xFFFF  }
0x43: {  	[sflag:s0] =	ssyncadd.tile.s32 @!p0 $0x1;
	_ =	shalt  }
.Lfunc_end2:
_tile_overlayer_lowered:
.L_overlay_start_2:
0x44: {  	(tag) =	ssettag $0x2  }
0x45: {  	s0 =	rddreg [dreg:$0x0];
	s2 =	stileid.u32  }
0x46: {  	s1 =	rddreg [dreg:$0x1];
	p0 =	sne.s32 s2, $0x0  }
0x47: {  	s3 =	rddreg [dreg:$0x2];
	[bflag:$0x3] =	sbarrier.arrive $0xFFFF;
	s2 =	simm.s32 @!p0 $0x1C02  }
0x48: {  	[timem:s3], [sflag:s2] =	dma.local @!p0 [hbm:s0], s1  }
0x49: {  	s0 =	simm.s32 @!p0 $0x2  }
0x4a: {  	_ =	swait.ge @!p0 [sflag:s0], s1  }
0x4b: {  	s1 =	ssub.s32 @!p0 $0x0, s1;
	[sflag:s0] =	ssyncset.done @!p0 $0x0  }
0x4c: {  	[sflag:s0] =	ssyncadd.s32 @!p0 s1  }
0x4d: {  	[bflag:$0x3] =	sbarrier.arrive $0xFFFF  }
0x4e: {  	_ =	shalt  }

</sc_bundles>
